<compile_context>
chip_gen: v7x
topology: tpu7x:2x2x1
jax: 0.10.2.dev20260603
libtpu: 0.0.44.dev20260713+nightly
codegen_flags: <defaults>
</compile_context>

<pallas_src>
import jax
import jax.numpy as jnp
from jax.experimental import pallas as pl
from jax.experimental.pallas import tpu as pltpu
from jax.experimental.pallas import tpu_sc as plsc

ROWS = 100000
HIDDEN = 256
EMBED = 128
BATCH = 4096
HIST = 20
N_TOK = BATCH * HIST

ROW_BLK = 10000
GATHER_WIN = 128


def _proj_body(enc_ref, w_ref, b_ref, out_ref):
    out_ref[...] = jnp.dot(
        enc_ref[...], w_ref[...],
        preferred_element_type=jnp.float32,
        precision=jax.lax.Precision.DEFAULT,
    ) + b_ref[...]


def _project_table(enc, W, b):
    return pl.pallas_call(
        _proj_body,
        grid=(ROWS // ROW_BLK,),
        in_specs=[
            pl.BlockSpec((ROW_BLK, HIDDEN), lambda i: (i, 0)),
            pl.BlockSpec((HIDDEN, EMBED), lambda i: (0, 0)),
            pl.BlockSpec((1, EMBED), lambda i: (0, 0)),
        ],
        out_specs=pl.BlockSpec((ROW_BLK, EMBED), lambda i: (i, 0)),
        out_shape=jax.ShapeDtypeStruct((ROWS, EMBED), jnp.float32),
    )(enc, W, b.reshape(1, EMBED))


BATCH_BLK = 16


def _sc_gather(table, idx):
    mesh = plsc.VectorSubcoreMesh(core_axis_name="core", subcore_axis_name="subcore")

    @pl.kernel(out_type=jax.ShapeDtypeStruct((BATCH, HIST, EMBED), jnp.float32),
               mesh=mesh,
               scratch_types=[pltpu.SemaphoreType.DMA])
    def k(tab_hbm, i_hbm, o_hbm, sem):
        def body(i_vmem, o_vmem):
            copies = [
                pltpu.async_copy(tab_hbm.at[i_vmem.at[p]], o_vmem.at[p], sem)
                for p in range(BATCH_BLK)
            ]
            for c in copies:
                c.wait()

        pltpu.emit_pipeline(
            body,
            grid=(BATCH // BATCH_BLK,),
            in_specs=[pl.BlockSpec((BATCH_BLK, HIST), index_map=lambda i: (i, 0))],
            out_specs=[pl.BlockSpec((BATCH_BLK, HIST, EMBED),
                                    index_map=lambda i: (i, 0, 0))],
            core_axis_name=("core", "subcore"),
            dimension_semantics=(pltpu.PARALLEL,),
        )(i_hbm, o_hbm)

    return k(table, idx)


def kernel(num, encodings, W, b):
    P = _project_table(encodings, W, b)
    idx = num.astype(jnp.int32)
    return _sc_gather(P, idx)

# --- scband reference (transcript-rebuilt; emitter-appended) ---
"""Pipeline reference for scband-number-embedder-71854802862150 (READ-ONLY COPY).

The authoritative reference and input builder live on the scoring server;
editing this copy changes nothing except your own understanding.
"""

import jax, jax.numpy as jnp
import numpy as np
import math

MAX_NUM = 100000
HIDDEN = 256
EMBED = 128
BATCH = 4096
HIST = 20


def setup_inputs(seed: int = 0) -> dict:
    key = jax.random.key(seed)
    k1, k2, k3 = jax.random.split(key, 3)
    num = jax.random.randint(k1, (BATCH, HIST), 0, MAX_NUM)
    # sinusoidal encoding table, same construction as torch __init__
    position = jnp.arange(MAX_NUM, dtype=jnp.float32)[:, None]
    div_term = jnp.exp(jnp.arange(0, HIDDEN, 2, dtype=jnp.float32) * (-math.log(10000.0) / HIDDEN))
    enc = jnp.zeros((MAX_NUM, HIDDEN), dtype=jnp.float32)
    enc = enc.at[:, 0::2].set(jnp.sin(position * div_term))
    enc = enc.at[:, 1::2].set(jnp.cos(position * div_term))
    # nn.Linear(hidden_dim, embed_dim) params
    bound = 1.0 / math.sqrt(HIDDEN)
    W = jax.random.uniform(k2, (HIDDEN, EMBED), jnp.float32, -bound, bound)
    b = jax.random.uniform(k3, (EMBED,), jnp.float32, -bound, bound)
    return {"num": num, "encodings": enc, "W": W, "b": b}


def reference(num, encodings, W, b):
    idx = num.astype(jnp.int32)
    time_embed = jnp.take(encodings, idx, axis=0)  # [B, L, HIDDEN] gather
    return time_embed @ W + b  # Linear projection -> [B, L, EMBED]

if __name__ == "__main__":
    import jax
    _d = setup_inputs()
    print(jax.jit(kernel)(*tuple(_d.values())))

</pallas_src>

<mosaic_0001>
#map = affine_map<(d0, d1) -> (0, 0)>
#map1 = affine_map<(d0, d1) -> (0, 0, 0)>
module attributes {stable_mosaic.version = 14 : i64} {
  func.func @k(%arg0: i32, %arg1: i32, %arg2: memref<100000x128xf32, #tpu.memory_space<hbm>>, %arg3: memref<4096x20xi32, #tpu.memory_space<hbm>>, %arg4: memref<4096x20x128xf32, #tpu.memory_space<hbm>>, %arg5: memref<!tpu.dma_semaphore, #tpu.memory_space<semaphore_mem>>) attributes {dimension_semantics = [#tpu.dimension_semantics<core_parallel>, #tpu.dimension_semantics<subcore_parallel>], iteration_bounds = array<i64: 2, 16>, scalar_prefetch = 0 : i64, scratch_operands = 1 : i64, tpu.core_type = #tpu.core_type<sc_vector_subcore>, window_params = [{transform_indices = #map}, {transform_indices = #map}, {transform_indices = #map1}]} {
    %mul3A = arith.constant 1 : i32
    %mul3A_0 = arith.muli %arg1, %mul3A : i32
    %add3A = arith.constant 0 : i32
    %add3A_1 = arith.addi %add3A, %mul3A_0 : i32
    %mul3A_2 = arith.constant 16 : i32
    %mul3A_3 = arith.muli %arg0, %mul3A_2 : i32
    %add3A_4 = arith.addi %add3A_1, %mul3A_3 : i32
    %mul3A_5 = arith.constant 8 : i32
    %mul3A_6 = arith.muli %add3A_4, %mul3A_5 : i32
    "tpu.region"() ({
      %run_scoped3A = memref.alloca() : memref<2x16x20xi32, #tpu.memory_space<vmem>>
      %run_scoped3A_7 = tpu.sem_alloc : memref<2x!tpu.dma_semaphore, #tpu.memory_space<semaphore_mem>>
      %run_scoped3A_8 = memref.alloca() : memref<2x16x20x128xf32, #tpu.memory_space<vmem>>
      %run_scoped3A_9 = tpu.sem_alloc : memref<2x!tpu.dma_semaphore, #tpu.memory_space<semaphore_mem>>
      %add3A_10 = arith.constant 0 : i32
      %add3A_11 = arith.addi %add3A_10, %mul3A_6 : i32
      %select_n3A = arith.constant true
      %select_n3A_12 = arith.constant 0 : i32
      %select_n3A_13 = arith.constant -1 : i32
      %select_n3A_14 = arith.select %select_n3A, %select_n3A_13, %select_n3A_12 : i32
      %eq3A = arith.constant -1 : i32
      %eq3A_15 = arith.cmpi eq, %select_n3A_14, %eq3A : i32
      %select_n3A_16 = arith.constant 7 : i32
      %select_n3A_17 = arith.select %eq3A_15, %select_n3A_16, %select_n3A_14 : i32
      %add3A_18 = arith.addi %select_n3A_17, %mul3A_6 : i32
      %select_n3A_19 = arith.constant true
      %select_n3A_20 = arith.constant 0 : i32
      %select_n3A_21 = arith.constant 1 : i32
      %select_n3A_22 = arith.select %select_n3A_19, %select_n3A_21, %select_n3A_20 : i32
      %eq3A_23 = arith.constant 8 : i32
      %eq3A_24 = arith.cmpi eq, %select_n3A_22, %eq3A_23 : i32
      %select_n3A_25 = arith.constant 0 : i32
      %select_n3A_26 = arith.select %eq3A_24, %select_n3A_25, %select_n3A_22 : i32
      %add3A_27 = arith.addi %select_n3A_26, %mul3A_6 : i32
      %add3A_28 = arith.constant 1 : i32
      %add3A_29 = arith.addi %select_n3A_26, %add3A_28 : i32
      %select_n3A_30 = arith.constant true
      %select_n3A_31 = arith.select %select_n3A_30, %add3A_29, %select_n3A_26 : i32
      %eq3A_32 = arith.constant 8 : i32
      %eq3A_33 = arith.cmpi eq, %select_n3A_31, %eq3A_32 : i32
      %select_n3A_34 = arith.constant 0 : i32
      %select_n3A_35 = arith.select %eq3A_33, %select_n3A_34, %select_n3A_31 : i32
      %add3A_36 = arith.addi %select_n3A_35, %mul3A_6 : i32
      "tpu.trace_start"() <{level = 10 : i32, message = "ep_initialize_0"}> : () -> ()
      %rem3A = arith.constant 0 : i32
      %rem3A_37 = arith.constant 2 : i32
      %rem3A_38 = arith.remui %rem3A, %rem3A_37 : i32
      %mul3A_39 = arith.constant 16 : i32
      %mul3A_40 = arith.muli %mul3A_39, %add3A_11 : i32
      %dma_start3A = arith.constant 0 : i32
      %dma_start3A_41 = arith.constant 0 : i32
      %dma_start3A_42 = tpu.memref_slice %run_scoped3A[%rem3A_38, %dma_start3A, %dma_start3A_41] : memref<2x16x20xi32, #tpu.memory_space<vmem>> -> memref<1x16x20xi32, #tpu.memory_space<vmem>>
      %dma_start3A_43 = tpu.memref_squeeze %dma_start3A_42 : memref<1x16x20xi32, #tpu.memory_space<vmem>> -> memref<16x20xi32, #tpu.memory_space<vmem>>
      %dma_start3A_44 = arith.constant 0 : i32
      %dma_start3A_45 = tpu.memref_slice %arg3[%mul3A_40, %dma_start3A_44] : memref<4096x20xi32, #tpu.memory_space<hbm>> -> memref<16x20xi32, #tpu.memory_space<hbm>>
      %dma_start3A_46 = tpu.memref_slice %run_scoped3A_7[%rem3A_38] : memref<2x!tpu.dma_semaphore, #tpu.memory_space<semaphore_mem>> -> memref<1x!tpu.dma_semaphore, #tpu.memory_space<semaphore_mem>>
      %dma_start3A_47 = tpu.memref_squeeze %dma_start3A_46 : memref<1x!tpu.dma_semaphore, #tpu.memory_space<semaphore_mem>> -> memref<!tpu.dma_semaphore, #tpu.memory_space<semaphore_mem>>
      %dma_start3A_48 = arith.constant 0 : i32
      %dma_start3A_49 = arith.constant 0 : i32
      %dma_start3A_50 = tpu.memref_slice %run_scoped3A[%rem3A_38, %dma_start3A_48, %dma_start3A_49] : memref<2x16x20xi32, #tpu.memory_space<vmem>> -> memref<1x16x20xi32, #tpu.memory_space<vmem>>
      %dma_start3A_51 = tpu.memref_squeeze %dma_start3A_50 : memref<1x16x20xi32, #tpu.memory_space<vmem>> -> memref<16x20xi32, #tpu.memory_space<vmem>>
      %dma_start3A_52 = arith.constant 0 : i32
      %dma_start3A_53 = tpu.memref_slice %arg3[%mul3A_40, %dma_start3A_52] : memref<4096x20xi32, #tpu.memory_space<hbm>> -> memref<16x20xi32, #tpu.memory_space<hbm>>
      tpu.enqueue_dma source(%dma_start3A_53 : memref<16x20xi32, #tpu.memory_space<hbm>>) target(%dma_start3A_51 : memref<16x20xi32, #tpu.memory_space<vmem>>) target_semaphore(%dma_start3A_47 : memref<!tpu.dma_semaphore, #tpu.memory_space<semaphore_mem>>)
      %add3A_54 = arith.constant 0 : i32
      %add3A_55 = arith.constant 1 : i32
      %add3A_56 = arith.addi %add3A_54, %add3A_55 : i32
      %select_n3A_57 = arith.constant true
      %select_n3A_58 = arith.constant 0 : i32
      %select_n3A_59 = arith.select %select_n3A_57, %add3A_56, %select_n3A_58 : i32
      "tpu.trace_stop"() : () -> ()
      %scan3A = arith.constant 0 : i32
      %scan3A_60 = arith.constant 0 : i32
      %scan3A_61 = arith.constant 0 : i32
      %scan3A_62 = arith.constant 0 : i32
      %scan3A_63 = arith.constant 0 : i32
      %scan3A_64 = arith.constant 8 : i32
      %scan3A_65 = arith.addi %scan3A_63, %scan3A_64 : i32
      %scan3A_66 = arith.constant 1 : i32
      %scan3A_67:5 = scf.for %scan3A_125 = %scan3A_63 to %scan3A_65 step %scan3A_66 iter_args(%scan3A_126 = %select_n3A_59, %scan3A_127 = %scan3A, %scan3A_128 = %scan3A_60, %scan3A_129 = %scan3A_61, %scan3A_130 = %scan3A_62) -> (i32, i32, i32, i32, i32)  : i32 {
        %eq3A_131 = arith.constant 0 : i32
        %eq3A_132 = arith.cmpi eq, %scan3A_125, %eq3A_131 : i32
        %eq3A_133 = arith.constant 7 : i32
        %eq3A_134 = arith.cmpi eq, %scan3A_125, %eq3A_133 : i32
        %add3A_135 = arith.addi %scan3A_130, %mul3A_6 : i32
        %sub3A_136 = arith.constant 1 : i32
        %sub3A_137 = arith.subi %scan3A_130, %sub3A_136 : i32
        %select_n3A_138 = arith.constant true
        %select_n3A_139 = arith.select %select_n3A_138, %sub3A_137, %scan3A_130 : i32
        %eq3A_140 = arith.constant -1 : i32
        %eq3A_141 = arith.cmpi eq, %select_n3A_139, %eq3A_140 : i32
        %select_n3A_142 = arith.constant 7 : i32
        %select_n3A_143 = arith.select %eq3A_141, %select_n3A_142, %select_n3A_139 : i32
        %add3A_144 = arith.addi %select_n3A_143, %mul3A_6 : i32
        %add3A_145 = arith.constant 1 : i32
        %add3A_146 = arith.addi %scan3A_130, %add3A_145 : i32
        %select_n3A_147 = arith.constant true
        %select_n3A_148 = arith.select %select_n3A_147, %add3A_146, %scan3A_130 : i32
        %eq3A_149 = arith.constant 8 : i32
        %eq3A_150 = arith.cmpi eq, %select_n3A_148, %eq3A_149 : i32
        %select_n3A_151 = arith.constant 0 : i32
        %select_n3A_152 = arith.select %eq3A_150, %select_n3A_151, %select_n3A_148 : i32
        %add3A_153 = arith.addi %select_n3A_152, %mul3A_6 : i32
        %add3A_154 = arith.constant 1 : i32
        %add3A_155 = arith.addi %select_n3A_152, %add3A_154 : i32
        %select_n3A_156 = arith.constant true
        %select_n3A_157 = arith.select %select_n3A_156, %add3A_155, %select_n3A_152 : i32
        %eq3A_158 = arith.constant 8 : i32
        %eq3A_159 = arith.cmpi eq, %select_n3A_157, %eq3A_158 : i32
        %select_n3A_160 = arith.constant 0 : i32
        %select_n3A_161 = arith.select %eq3A_159, %select_n3A_160, %select_n3A_157 : i32
        %add3A_162 = arith.addi %select_n3A_161, %mul3A_6 : i32
        %ne3A = arith.cmpi ne, %add3A_135, %add3A_153 : i32
        %or3A = arith.constant false
        %or3A_163 = arith.ori %or3A, %ne3A : i1
        %or3A_164 = arith.constant false
        %or3A_165 = arith.ori %or3A_163, %or3A_164 : i1
        %ge3A = arith.constant 7 : i32
        %ge3A_166 = arith.cmpi sge, %scan3A_125, %ge3A : i32
        %not3A = arith.constant true
        %not3A_167 = arith.xori %ge3A_166, %not3A : i1
        %and3A = arith.andi %or3A_165, %not3A_167 : i1
        %convert_element_type3A = arith.extui %and3A : i1 to i32
        %cond3A = arith.constant 0 : i32
        %cond3A_168 = arith.cmpi ne, %convert_element_type3A, %cond3A : i32
        scf.if %cond3A_168 {
          "tpu.trace_start"() <{level = 10 : i32, message = "ep_copy_in"}> : () -> ()
          %rem3A_957 = arith.constant 2 : i32
          %rem3A_958 = arith.remui %scan3A_126, %rem3A_957 : i32
          %mul3A_959 = arith.constant 16 : i32
          %mul3A_960 = arith.muli %mul3A_959, %add3A_153 : i32
          %dma_start3A_961 = arith.constant 0 : i32
          %dma_start3A_962 = arith.constant 0 : i32
          %dma_start3A_963 = tpu.memref_slice %run_scoped3A[%rem3A_958, %dma_start3A_961, %dma_start3A_962] : memref<2x16x20xi32, #tpu.memory_space<vmem>> -> memref<1x16x20xi32, #tpu.memory_space<vmem>>
          %dma_start3A_964 = tpu.memref_squeeze %dma_start3A_963 : memref<1x16x20xi32, #tpu.memory_space<vmem>> -> memref<16x20xi32, #tpu.memory_space<vmem>>
          %dma_start3A_965 = arith.constant 0 : i32
          %dma_start3A_966 = tpu.memref_slice %arg3[%mul3A_960, %dma_start3A_965] : memref<4096x20xi32, #tpu.memory_space<hbm>> -> memref<16x20xi32, #tpu.memory_space<hbm>>
          %dma_start3A_967 = tpu.memref_slice %run_scoped3A_7[%rem3A_958] : memref<2x!tpu.dma_semaphore, #tpu.memory_space<semaphore_mem>> -> memref<1x!tpu.dma_semaphore, #tpu.memory_space<semaphore_mem>>
          %dma_start3A_968 = tpu.memref_squeeze %dma_start3A_967 : memref<1x!tpu.dma_semaphore, #tpu.memory_space<semaphore_mem>> -> memref<!tpu.dma_semaphore, #tpu.memory_space<semaphore_mem>>
          %dma_start3A_969 = arith.constant 0 : i32
          %dma_start3A_970 = arith.constant 0 : i32
          %dma_start3A_971 = tpu.memref_slice %run_scoped3A[%rem3A_958, %dma_start3A_969, %dma_start3A_970] : memref<2x16x20xi32, #tpu.memory_space<vmem>> -> memref<1x16x20xi32, #tpu.memory_space<vmem>>
          %dma_start3A_972 = tpu.memref_squeeze %dma_start3A_971 : memref<1x16x20xi32, #tpu.memory_space<vmem>> -> memref<16x20xi32, #tpu.memory_space<vmem>>
          %dma_start3A_973 = arith.constant 0 : i32
          %dma_start3A_974 = tpu.memref_slice %arg3[%mul3A_960, %dma_start3A_973] : memref<4096x20xi32, #tpu.memory_space<hbm>> -> memref<16x20xi32, #tpu.memory_space<hbm>>
          tpu.enqueue_dma source(%dma_start3A_974 : memref<16x20xi32, #tpu.memory_space<hbm>>) target(%dma_start3A_972 : memref<16x20xi32, #tpu.memory_space<vmem>>) target_semaphore(%dma_start3A_968 : memref<!tpu.dma_semaphore, #tpu.memory_space<semaphore_mem>>)
          "tpu.trace_stop"() : () -> ()
        } else {
        }
        %and3A_169 = arith.constant true
        %and3A_170 = arith.andi %and3A, %and3A_169 : i1
        %add3A_171 = arith.constant 1 : i32
        %add3A_172 = arith.addi %scan3A_126, %add3A_171 : i32
        %select_n3A_173 = arith.select %and3A_170, %add3A_172, %scan3A_126 : i32
        %ne3A_174 = arith.cmpi ne, %add3A_135, %add3A_153 : i32
        %or3A_175 = arith.constant false
        %or3A_176 = arith.ori %or3A_175, %ne3A_174 : i1
        %or3A_177 = arith.constant false
        %or3A_178 = arith.ori %or3A_176, %or3A_177 : i1
        %or3A_179 = arith.constant false
        %or3A_180 = arith.ori %or3A_178, %or3A_179 : i1
        %ge3A_181 = arith.constant 7 : i32
        %ge3A_182 = arith.cmpi sge, %scan3A_125, %ge3A_181 : i32
        %not3A_183 = arith.constant true
        %not3A_184 = arith.xori %ge3A_182, %not3A_183 : i1
        %and3A_185 = arith.andi %or3A_180, %not3A_184 : i1
        %ne3A_186 = arith.cmpi ne, %add3A_135, %add3A_144 : i32
        %or3A_187 = arith.constant false
        %or3A_188 = arith.ori %or3A_187, %ne3A_186 : i1
        %or3A_189 = arith.constant false
        %or3A_190 = arith.ori %or3A_188, %or3A_189 : i1
        %or3A_191 = arith.ori %or3A_190, %eq3A_132 : i1
        %convert_element_type3A_192 = arith.extui %or3A_191 : i1 to i32
        %cond3A_193 = arith.constant 0 : i32
        %cond3A_194 = arith.cmpi ne, %convert_element_type3A_192, %cond3A_193 : i32
        scf.if %cond3A_194 {
          "tpu.trace_start"() <{level = 10 : i32, message = "ep_wait_in"}> : () -> ()
          %mul3A_957 = arith.constant 16 : i32
          %mul3A_958 = arith.muli %mul3A_957, %add3A_135 : i32
          %rem3A_959 = arith.constant 2 : i32
          %rem3A_960 = arith.remui %scan3A_127, %rem3A_959 : i32
          %dma_wait3A_961 = arith.constant 0 : i32
          %dma_wait3A_962 = arith.constant 0 : i32
          %dma_wait3A_963 = tpu.memref_slice %run_scoped3A[%rem3A_960, %dma_wait3A_961, %dma_wait3A_962] : memref<2x16x20xi32, #tpu.memory_space<vmem>> -> memref<1x16x20xi32, #tpu.memory_space<vmem>>
          %dma_wait3A_964 = tpu.memref_squeeze %dma_wait3A_963 : memref<1x16x20xi32, #tpu.memory_space<vmem>> -> memref<16x20xi32, #tpu.memory_space<vmem>>
          %dma_wait3A_965 = arith.constant 0 : i32
          %dma_wait3A_966 = tpu.memref_slice %arg3[%mul3A_958, %dma_wait3A_965] : memref<4096x20xi32, #tpu.memory_space<hbm>> -> memref<16x20xi32, #tpu.memory_space<hbm>>
          %dma_wait3A_967 = tpu.memref_slice %run_scoped3A_7[%rem3A_960] : memref<2x!tpu.dma_semaphore, #tpu.memory_space<semaphore_mem>> -> memref<1x!tpu.dma_semaphore, #tpu.memory_space<semaphore_mem>>
          %dma_wait3A_968 = tpu.memref_squeeze %dma_wait3A_967 : memref<1x!tpu.dma_semaphore, #tpu.memory_space<semaphore_mem>> -> memref<!tpu.dma_semaphore, #tpu.memory_space<semaphore_mem>>
          %dma_wait3A_969 = arith.constant 0 : i32
          %dma_wait3A_970 = arith.constant 0 : i32
          %dma_wait3A_971 = tpu.memref_slice %run_scoped3A[%rem3A_960, %dma_wait3A_969, %dma_wait3A_970] : memref<2x16x20xi32, #tpu.memory_space<vmem>> -> memref<1x16x20xi32, #tpu.memory_space<vmem>>
          %dma_wait3A_972 = tpu.memref_squeeze %dma_wait3A_971 : memref<1x16x20xi32, #tpu.memory_space<vmem>> -> memref<16x20xi32, #tpu.memory_space<vmem>>
          %dma_wait3A_973 = arith.constant 0 : i32
          %dma_wait3A_974 = tpu.memref_slice %arg3[%mul3A_958, %dma_wait3A_973] : memref<4096x20xi32, #tpu.memory_space<hbm>> -> memref<16x20xi32, #tpu.memory_space<hbm>>
          tpu.wait_dma2 semaphore(%dma_wait3A_968 : memref<!tpu.dma_semaphore, #tpu.memory_space<semaphore_mem>>) src(%dma_wait3A_974 : memref<16x20xi32, #tpu.memory_space<hbm>>) dst(%dma_wait3A_972 : memref<16x20xi32, #tpu.memory_space<vmem>>)
          "tpu.trace_stop"() : () -> ()
        } else {
        }
        %ne3A_195 = arith.cmpi ne, %add3A_135, %add3A_144 : i32
        %or3A_196 = arith.constant false
        %or3A_197 = arith.ori %or3A_196, %ne3A_195 : i1
        %or3A_198 = arith.constant false
        %or3A_199 = arith.ori %or3A_197, %or3A_198 : i1
        %or3A_200 = arith.constant false
        %or3A_201 = arith.ori %or3A_199, %or3A_200 : i1
        %or3A_202 = arith.ori %or3A_201, %eq3A_132 : i1
        %convert_element_type3A_203 = arith.extui %or3A_202 : i1 to i32
        %cond3A_204 = arith.constant 0 : i32
        %cond3A_205 = arith.cmpi ne, %convert_element_type3A_203, %cond3A_204 : i32
        scf.if %cond3A_205 {
        } else {
        }
        %rem3A_206 = arith.constant 2 : i32
        %rem3A_207 = arith.remui %scan3A_127, %rem3A_206 : i32
        %rem3A_208 = arith.constant 2 : i32
        %rem3A_209 = arith.remui %scan3A_128, %rem3A_208 : i32
        %dma_start3A_210 = arith.constant 0 : i32
        %dma_start3A_211 = arith.constant 0 : i32
        "tpu.trace_start"() <{level = 10 : i32, message = "ep_run_kernel"}> : () -> ()
        %dma_start3A_212 = arith.constant 0 : i32
        %dma_start3A_213 = arith.constant 0 : i32
        %dma_start3A_214 = arith.constant 0 : i32
        %dma_start3A_215 = tpu.memref_slice %run_scoped3A_8[%rem3A_209, %dma_start3A_212, %dma_start3A_213, %dma_start3A_214] : memref<2x16x20x128xf32, #tpu.memory_space<vmem>> -> memref<1x16x20x128xf32, #tpu.memory_space<vmem>>
        %dma_start3A_216 = tpu.memref_squeeze %dma_start3A_215 : memref<1x16x20x128xf32, #tpu.memory_space<vmem>> -> memref<16x20x128xf32, #tpu.memory_space<vmem>>
        %dma_start3A_217 = arith.constant 0 : i32
        %dma_start3A_218 = arith.constant 0 : i32
        %dma_start3A_219 = tpu.memref_slice %dma_start3A_216[%dma_start3A_211, %dma_start3A_217, %dma_start3A_218] : memref<16x20x128xf32, #tpu.memory_space<vmem>> -> memref<1x20x128xf32, #tpu.memory_space<vmem>>
        %dma_start3A_220 = tpu.memref_squeeze %dma_start3A_219 : memref<1x20x128xf32, #tpu.memory_space<vmem>> -> memref<20x128xf32, #tpu.memory_space<vmem>>
        %dma_start3A_221 = arith.constant 0 : i32
        %dma_start3A_222 = arith.constant 0 : i32
        %dma_start3A_223 = tpu.memref_slice %run_scoped3A[%rem3A_207, %dma_start3A_221, %dma_start3A_222] : memref<2x16x20xi32, #tpu.memory_space<vmem>> -> memref<1x16x20xi32, #tpu.memory_space<vmem>>
        %dma_start3A_224 = tpu.memref_squeeze %dma_start3A_223 : memref<1x16x20xi32, #tpu.memory_space<vmem>> -> memref<16x20xi32, #tpu.memory_space<vmem>>
        %dma_start3A_225 = arith.constant 0 : i32
        %dma_start3A_226 = tpu.memref_slice %dma_start3A_224[%dma_start3A_210, %dma_start3A_225] : memref<16x20xi32, #tpu.memory_space<vmem>> -> memref<1x20xi32, #tpu.memory_space<vmem>>
        %dma_start3A_227 = tpu.memref_squeeze %dma_start3A_226 : memref<1x20xi32, #tpu.memory_space<vmem>> -> memref<20xi32, #tpu.memory_space<vmem>>
        %dma_start3A_228 = arith.constant 0 : i32
        %dma_start3A_229 = arith.constant 0 : i32
        %dma_start3A_230 = tpu.memref_slice %arg2[%dma_start3A_228, %dma_start3A_229] : memref<100000x128xf32, #tpu.memory_space<hbm>> -> memref<100000x128xf32, #tpu.memory_space<hbm>>
        tpu.enqueue_indirect_dma source(%dma_start3A_230 : memref<100000x128xf32, #tpu.memory_space<hbm>>) target(%dma_start3A_220 : memref<20x128xf32, #tpu.memory_space<vmem>>) offsets(%dma_start3A_227 : memref<20xi32, #tpu.memory_space<vmem>>) semaphore(%arg5 : memref<!tpu.dma_semaphore, #tpu.memory_space<semaphore_mem>>)
        %dma_start3A_231 = arith.constant 1 : i32
        %dma_start3A_232 = arith.constant 1 : i32
        %dma_start3A_233 = arith.constant 0 : i32
        %dma_start3A_234 = arith.constant 0 : i32
        %dma_start3A_235 = arith.constant 0 : i32
        %dma_start3A_236 = tpu.memref_slice %run_scoped3A_8[%rem3A_209, %dma_start3A_233, %dma_start3A_234, %dma_start3A_235] : memref<2x16x20x128xf32, #tpu.memory_space<vmem>> -> memref<1x16x20x128xf32, #tpu.memory_space<vmem>>
        %dma_start3A_237 = tpu.memref_squeeze %dma_start3A_236 : memref<1x16x20x128xf32, #tpu.memory_space<vmem>> -> memref<16x20x128xf32, #tpu.memory_space<vmem>>
        %dma_start3A_238 = arith.constant 0 : i32
        %dma_start3A_239 = arith.constant 0 : i32
        %dma_start3A_240 = tpu.memref_slice %dma_start3A_237[%dma_start3A_232, %dma_start3A_238, %dma_start3A_239] : memref<16x20x128xf32, #tpu.memory_space<vmem>> -> memref<1x20x128xf32, #tpu.memory_space<vmem>>
        %dma_start3A_241 = tpu.memref_squeeze %dma_start3A_240 : memref<1x20x128xf32, #tpu.memory_space<vmem>> -> memref<20x128xf32, #tpu.memory_space<vmem>>
        %dma_start3A_242 = arith.constant 0 : i32
        %dma_start3A_243 = arith.constant 0 : i32
        %dma_start3A_244 = tpu.memref_slice %run_scoped3A[%rem3A_207, %dma_start3A_242, %dma_start3A_243] : memref<2x16x20xi32, #tpu.memory_space<vmem>> -> memref<1x16x20xi32, #tpu.memory_space<vmem>>
        %dma_start3A_245 = tpu.memref_squeeze %dma_start3A_244 : memref<1x16x20xi32, #tpu.memory_space<vmem>> -> memref<16x20xi32, #tpu.memory_space<vmem>>
        %dma_start3A_246 = arith.constant 0 : i32
        %dma_start3A_247 = tpu.memref_slice %dma_start3A_245[%dma_start3A_231, %dma_start3A_246] : memref<16x20xi32, #tpu.memory_space<vmem>> -> memref<1x20xi32, #tpu.memory_space<vmem>>
        %dma_start3A_248 = tpu.memref_squeeze %dma_start3A_247 : memref<1x20xi32, #tpu.memory_space<vmem>> -> memref<20xi32, #tpu.memory_space<vmem>>
        %dma_start3A_249 = arith.constant 0 : i32
        %dma_start3A_250 = arith.constant 0 : i32
        %dma_start3A_251 = tpu.memref_slice %arg2[%dma_start3A_249, %dma_start3A_250] : memref<100000x128xf32, #tpu.memory_space<hbm>> -> memref<100000x128xf32, #tpu.memory_space<hbm>>
        tpu.enqueue_indirect_dma source(%dma_start3A_251 : memref<100000x128xf32, #tpu.memory_space<hbm>>) target(%dma_start3A_241 : memref<20x128xf32, #tpu.memory_space<vmem>>) offsets(%dma_start3A_248 : memref<20xi32, #tpu.memory_space<vmem>>) semaphore(%arg5 : memref<!tpu.dma_semaphore, #tpu.memory_space<semaphore_mem>>)
        %dma_start3A_252 = arith.constant 2 : i32
        %dma_start3A_253 = arith.constant 2 : i32
        %dma_start3A_254 = arith.constant 0 : i32
        %dma_start3A_255 = arith.constant 0 : i32
        %dma_start3A_256 = arith.constant 0 : i32
        %dma_start3A_257 = tpu.memref_slice %run_scoped3A_8[%rem3A_209, %dma_start3A_254, %dma_start3A_255, %dma_start3A_256] : memref<2x16x20x128xf32, #tpu.memory_space<vmem>> -> memref<1x16x20x128xf32, #tpu.memory_space<vmem>>
        %dma_start3A_258 = tpu.memref_squeeze %dma_start3A_257 : memref<1x16x20x128xf32, #tpu.memory_space<vmem>> -> memref<16x20x128xf32, #tpu.memory_space<vmem>>
        %dma_start3A_259 = arith.constant 0 : i32
        %dma_start3A_260 = arith.constant 0 : i32
        %dma_start3A_261 = tpu.memref_slice %dma_start3A_258[%dma_start3A_253, %dma_start3A_259, %dma_start3A_260] : memref<16x20x128xf32, #tpu.memory_space<vmem>> -> memref<1x20x128xf32, #tpu.memory_space<vmem>>
        %dma_start3A_262 = tpu.memref_squeeze %dma_start3A_261 : memref<1x20x128xf32, #tpu.memory_space<vmem>> -> memref<20x128xf32, #tpu.memory_space<vmem>>
        %dma_start3A_263 = arith.constant 0 : i32
        %dma_start3A_264 = arith.constant 0 : i32
        %dma_start3A_265 = tpu.memref_slice %run_scoped3A[%rem3A_207, %dma_start3A_263, %dma_start3A_264] : memref<2x16x20xi32, #tpu.memory_space<vmem>> -> memref<1x16x20xi32, #tpu.memory_space<vmem>>
        %dma_start3A_266 = tpu.memref_squeeze %dma_start3A_265 : memref<1x16x20xi32, #tpu.memory_space<vmem>> -> memref<16x20xi32, #tpu.memory_space<vmem>>
        %dma_start3A_267 = arith.constant 0 : i32
        %dma_start3A_268 = tpu.memref_slice %dma_start3A_266[%dma_start3A_252, %dma_start3A_267] : memref<16x20xi32, #tpu.memory_space<vmem>> -> memref<1x20xi32, #tpu.memory_space<vmem>>
        %dma_start3A_269 = tpu.memref_squeeze %dma_start3A_268 : memref<1x20xi32, #tpu.memory_space<vmem>> -> memref<20xi32, #tpu.memory_space<vmem>>
        %dma_start3A_270 = arith.constant 0 : i32
        %dma_start3A_271 = arith.constant 0 : i32
        %dma_start3A_272 = tpu.memref_slice %arg2[%dma_start3A_270, %dma_start3A_271] : memref<100000x128xf32, #tpu.memory_space<hbm>> -> memref<100000x128xf32, #tpu.memory_space<hbm>>
        tpu.enqueue_indirect_dma source(%dma_start3A_272 : memref<100000x128xf32, #tpu.memory_space<hbm>>) target(%dma_start3A_262 : memref<20x128xf32, #tpu.memory_space<vmem>>) offsets(%dma_start3A_269 : memref<20xi32, #tpu.memory_space<vmem>>) semaphore(%arg5 : memref<!tpu.dma_semaphore, #tpu.memory_space<semaphore_mem>>)
        %dma_start3A_273 = arith.constant 3 : i32
        %dma_start3A_274 = arith.constant 3 : i32
        %dma_start3A_275 = arith.constant 0 : i32
        %dma_start3A_276 = arith.constant 0 : i32
        %dma_start3A_277 = arith.constant 0 : i32
        %dma_start3A_278 = tpu.memref_slice %run_scoped3A_8[%rem3A_209, %dma_start3A_275, %dma_start3A_276, %dma_start3A_277] : memref<2x16x20x128xf32, #tpu.memory_space<vmem>> -> memref<1x16x20x128xf32, #tpu.memory_space<vmem>>
        %dma_start3A_279 = tpu.memref_squeeze %dma_start3A_278 : memref<1x16x20x128xf32, #tpu.memory_space<vmem>> -> memref<16x20x128xf32, #tpu.memory_space<vmem>>
        %dma_start3A_280 = arith.constant 0 : i32
        %dma_start3A_281 = arith.constant 0 : i32
        %dma_start3A_282 = tpu.memref_slice %dma_start3A_279[%dma_start3A_274, %dma_start3A_280, %dma_start3A_281] : memref<16x20x128xf32, #tpu.memory_space<vmem>> -> memref<1x20x128xf32, #tpu.memory_space<vmem>>
        %dma_start3A_283 = tpu.memref_squeeze %dma_start3A_282 : memref<1x20x128xf32, #tpu.memory_space<vmem>> -> memref<20x128xf32, #tpu.memory_space<vmem>>
        %dma_start3A_284 = arith.constant 0 : i32
        %dma_start3A_285 = arith.constant 0 : i32
        %dma_start3A_286 = tpu.memref_slice %run_scoped3A[%rem3A_207, %dma_start3A_284, %dma_start3A_285] : memref<2x16x20xi32, #tpu.memory_space<vmem>> -> memref<1x16x20xi32, #tpu.memory_space<vmem>>
        %dma_start3A_287 = tpu.memref_squeeze %dma_start3A_286 : memref<1x16x20xi32, #tpu.memory_space<vmem>> -> memref<16x20xi32, #tpu.memory_space<vmem>>
        %dma_start3A_288 = arith.constant 0 : i32
        %dma_start3A_289 = tpu.memref_slice %dma_start3A_287[%dma_start3A_273, %dma_start3A_288] : memref<16x20xi32, #tpu.memory_space<vmem>> -> memref<1x20xi32, #tpu.memory_space<vmem>>
        %dma_start3A_290 = tpu.memref_squeeze %dma_start3A_289 : memref<1x20xi32, #tpu.memory_space<vmem>> -> memref<20xi32, #tpu.memory_space<vmem>>
        %dma_start3A_291 = arith.constant 0 : i32
        %dma_start3A_292 = arith.constant 0 : i32
        %dma_start3A_293 = tpu.memref_slice %arg2[%dma_start3A_291, %dma_start3A_292] : memref<100000x128xf32, #tpu.memory_space<hbm>> -> memref<100000x128xf32, #tpu.memory_space<hbm>>
        tpu.enqueue_indirect_dma source(%dma_start3A_293 : memref<100000x128xf32, #tpu.memory_space<hbm>>) target(%dma_start3A_283 : memref<20x128xf32, #tpu.memory_space<vmem>>) offsets(%dma_start3A_290 : memref<20xi32, #tpu.memory_space<vmem>>) semaphore(%arg5 : memref<!tpu.dma_semaphore, #tpu.memory_space<semaphore_mem>>)
        %dma_start3A_294 = arith.constant 4 : i32
        %dma_start3A_295 = arith.constant 4 : i32
        %dma_start3A_296 = arith.constant 0 : i32
        %dma_start3A_297 = arith.constant 0 : i32
        %dma_start3A_298 = arith.constant 0 : i32
        %dma_start3A_299 = tpu.memref_slice %run_scoped3A_8[%rem3A_209, %dma_start3A_296, %dma_start3A_297, %dma_start3A_298] : memref<2x16x20x128xf32, #tpu.memory_space<vmem>> -> memref<1x16x20x128xf32, #tpu.memory_space<vmem>>
        %dma_start3A_300 = tpu.memref_squeeze %dma_start3A_299 : memref<1x16x20x128xf32, #tpu.memory_space<vmem>> -> memref<16x20x128xf32, #tpu.memory_space<vmem>>
        %dma_start3A_301 = arith.constant 0 : i32
        %dma_start3A_302 = arith.constant 0 : i32
        %dma_start3A_303 = tpu.memref_slice %dma_start3A_300[%dma_start3A_295, %dma_start3A_301, %dma_start3A_302] : memref<16x20x128xf32, #tpu.memory_space<vmem>> -> memref<1x20x128xf32, #tpu.memory_space<vmem>>
        %dma_start3A_304 = tpu.memref_squeeze %dma_start3A_303 : memref<1x20x128xf32, #tpu.memory_space<vmem>> -> memref<20x128xf32, #tpu.memory_space<vmem>>
        %dma_start3A_305 = arith.constant 0 : i32
        %dma_start3A_306 = arith.constant 0 : i32
        %dma_start3A_307 = tpu.memref_slice %run_scoped3A[%rem3A_207, %dma_start3A_305, %dma_start3A_306] : memref<2x16x20xi32, #tpu.memory_space<vmem>> -> memref<1x16x20xi32, #tpu.memory_space<vmem>>
        %dma_start3A_308 = tpu.memref_squeeze %dma_start3A_307 : memref<1x16x20xi32, #tpu.memory_space<vmem>> -> memref<16x20xi32, #tpu.memory_space<vmem>>
        %dma_start3A_309 = arith.constant 0 : i32
        %dma_start3A_310 = tpu.memref_slice %dma_start3A_308[%dma_start3A_294, %dma_start3A_309] : memref<16x20xi32, #tpu.memory_space<vmem>> -> memref<1x20xi32, #tpu.memory_space<vmem>>
        %dma_start3A_311 = tpu.memref_squeeze %dma_start3A_310 : memref<1x20xi32, #tpu.memory_space<vmem>> -> memref<20xi32, #tpu.memory_space<vmem>>
        %dma_start3A_312 = arith.constant 0 : i32
        %dma_start3A_313 = arith.constant 0 : i32
        %dma_start3A_314 = tpu.memref_slice %arg2[%dma_start3A_312, %dma_start3A_313] : memref<100000x128xf32, #tpu.memory_space<hbm>> -> memref<100000x128xf32, #tpu.memory_space<hbm>>
        tpu.enqueue_indirect_dma source(%dma_start3A_314 : memref<100000x128xf32, #tpu.memory_space<hbm>>) target(%dma_start3A_304 : memref<20x128xf32, #tpu.memory_space<vmem>>) offsets(%dma_start3A_311 : memref<20xi32, #tpu.memory_space<vmem>>) semaphore(%arg5 : memref<!tpu.dma_semaphore, #tpu.memory_space<semaphore_mem>>)
        %dma_start3A_315 = arith.constant 5 : i32
        %dma_start3A_316 = arith.constant 5 : i32
        %dma_start3A_317 = arith.constant 0 : i32
        %dma_start3A_318 = arith.constant 0 : i32
        %dma_start3A_319 = arith.constant 0 : i32
        %dma_start3A_320 = tpu.memref_slice %run_scoped3A_8[%rem3A_209, %dma_start3A_317, %dma_start3A_318, %dma_start3A_319] : memref<2x16x20x128xf32, #tpu.memory_space<vmem>> -> memref<1x16x20x128xf32, #tpu.memory_space<vmem>>
        %dma_start3A_321 = tpu.memref_squeeze %dma_start3A_320 : memref<1x16x20x128xf32, #tpu.memory_space<vmem>> -> memref<16x20x128xf32, #tpu.memory_space<vmem>>
        %dma_start3A_322 = arith.constant 0 : i32
        %dma_start3A_323 = arith.constant 0 : i32
        %dma_start3A_324 = tpu.memref_slice %dma_start3A_321[%dma_start3A_316, %dma_start3A_322, %dma_start3A_323] : memref<16x20x128xf32, #tpu.memory_space<vmem>> -> memref<1x20x128xf32, #tpu.memory_space<vmem>>
        %dma_start3A_325 = tpu.memref_squeeze %dma_start3A_324 : memref<1x20x128xf32, #tpu.memory_space<vmem>> -> memref<20x128xf32, #tpu.memory_space<vmem>>
        %dma_start3A_326 = arith.constant 0 : i32
        %dma_start3A_327 = arith.constant 0 : i32
        %dma_start3A_328 = tpu.memref_slice %run_scoped3A[%rem3A_207, %dma_start3A_326, %dma_start3A_327] : memref<2x16x20xi32, #tpu.memory_space<vmem>> -> memref<1x16x20xi32, #tpu.memory_space<vmem>>
        %dma_start3A_329 = tpu.memref_squeeze %dma_start3A_328 : memref<1x16x20xi32, #tpu.memory_space<vmem>> -> memref<16x20xi32, #tpu.memory_space<vmem>>
        %dma_start3A_330 = arith.constant 0 : i32
        %dma_start3A_331 = tpu.memref_slice %dma_start3A_329[%dma_start3A_315, %dma_start3A_330] : memref<16x20xi32, #tpu.memory_space<vmem>> -> memref<1x20xi32, #tpu.memory_space<vmem>>
        %dma_start3A_332 = tpu.memref_squeeze %dma_start3A_331 : memref<1x20xi32, #tpu.memory_space<vmem>> -> memref<20xi32, #tpu.memory_space<vmem>>
        %dma_start3A_333 = arith.constant 0 : i32
        %dma_start3A_334 = arith.constant 0 : i32
        %dma_start3A_335 = tpu.memref_slice %arg2[%dma_start3A_333, %dma_start3A_334] : memref<100000x128xf32, #tpu.memory_space<hbm>> -> memref<100000x128xf32, #tpu.memory_space<hbm>>
        tpu.enqueue_indirect_dma source(%dma_start3A_335 : memref<100000x128xf32, #tpu.memory_space<hbm>>) target(%dma_start3A_325 : memref<20x128xf32, #tpu.memory_space<vmem>>) offsets(%dma_start3A_332 : memref<20xi32, #tpu.memory_space<vmem>>) semaphore(%arg5 : memref<!tpu.dma_semaphore, #tpu.memory_space<semaphore_mem>>)
        %dma_start3A_336 = arith.constant 6 : i32
        %dma_start3A_337 = arith.constant 6 : i32
        %dma_start3A_338 = arith.constant 0 : i32
        %dma_start3A_339 = arith.constant 0 : i32
        %dma_start3A_340 = arith.constant 0 : i32
        %dma_start3A_341 = tpu.memref_slice %run_scoped3A_8[%rem3A_209, %dma_start3A_338, %dma_start3A_339, %dma_start3A_340] : memref<2x16x20x128xf32, #tpu.memory_space<vmem>> -> memref<1x16x20x128xf32, #tpu.memory_space<vmem>>
        %dma_start3A_342 = tpu.memref_squeeze %dma_start3A_341 : memref<1x16x20x128xf32, #tpu.memory_space<vmem>> -> memref<16x20x128xf32, #tpu.memory_space<vmem>>
        %dma_start3A_343 = arith.constant 0 : i32
        %dma_start3A_344 = arith.constant 0 : i32
        %dma_start3A_345 = tpu.memref_slice %dma_start3A_342[%dma_start3A_337, %dma_start3A_343, %dma_start3A_344] : memref<16x20x128xf32, #tpu.memory_space<vmem>> -> memref<1x20x128xf32, #tpu.memory_space<vmem>>
        %dma_start3A_346 = tpu.memref_squeeze %dma_start3A_345 : memref<1x20x128xf32, #tpu.memory_space<vmem>> -> memref<20x128xf32, #tpu.memory_space<vmem>>
        %dma_start3A_347 = arith.constant 0 : i32
        %dma_start3A_348 = arith.constant 0 : i32
        %dma_start3A_349 = tpu.memref_slice %run_scoped3A[%rem3A_207, %dma_start3A_347, %dma_start3A_348] : memref<2x16x20xi32, #tpu.memory_space<vmem>> -> memref<1x16x20xi32, #tpu.memory_space<vmem>>
        %dma_start3A_350 = tpu.memref_squeeze %dma_start3A_349 : memref<1x16x20xi32, #tpu.memory_space<vmem>> -> memref<16x20xi32, #tpu.memory_space<vmem>>
        %dma_start3A_351 = arith.constant 0 : i32
        %dma_start3A_352 = tpu.memref_slice %dma_start3A_350[%dma_start3A_336, %dma_start3A_351] : memref<16x20xi32, #tpu.memory_space<vmem>> -> memref<1x20xi32, #tpu.memory_space<vmem>>
        %dma_start3A_353 = tpu.memref_squeeze %dma_start3A_352 : memref<1x20xi32, #tpu.memory_space<vmem>> -> memref<20xi32, #tpu.memory_space<vmem>>
        %dma_start3A_354 = arith.constant 0 : i32
        %dma_start3A_355 = arith.constant 0 : i32
        %dma_start3A_356 = tpu.memref_slice %arg2[%dma_start3A_354, %dma_start3A_355] : memref<100000x128xf32, #tpu.memory_space<hbm>> -> memref<100000x128xf32, #tpu.memory_space<hbm>>
        tpu.enqueue_indirect_dma source(%dma_start3A_356 : memref<100000x128xf32, #tpu.memory_space<hbm>>) target(%dma_start3A_346 : memref<20x128xf32, #tpu.memory_space<vmem>>) offsets(%dma_start3A_353 : memref<20xi32, #tpu.memory_space<vmem>>) semaphore(%arg5 : memref<!tpu.dma_semaphore, #tpu.memory_space<semaphore_mem>>)
        %dma_start3A_357 = arith.constant 7 : i32
        %dma_start3A_358 = arith.constant 7 : i32
        %dma_start3A_359 = arith.constant 0 : i32
        %dma_start3A_360 = arith.constant 0 : i32
        %dma_start3A_361 = arith.constant 0 : i32
        %dma_start3A_362 = tpu.memref_slice %run_scoped3A_8[%rem3A_209, %dma_start3A_359, %dma_start3A_360, %dma_start3A_361] : memref<2x16x20x128xf32, #tpu.memory_space<vmem>> -> memref<1x16x20x128xf32, #tpu.memory_space<vmem>>
        %dma_start3A_363 = tpu.memref_squeeze %dma_start3A_362 : memref<1x16x20x128xf32, #tpu.memory_space<vmem>> -> memref<16x20x128xf32, #tpu.memory_space<vmem>>
        %dma_start3A_364 = arith.constant 0 : i32
        %dma_start3A_365 = arith.constant 0 : i32
        %dma_start3A_366 = tpu.memref_slice %dma_start3A_363[%dma_start3A_358, %dma_start3A_364, %dma_start3A_365] : memref<16x20x128xf32, #tpu.memory_space<vmem>> -> memref<1x20x128xf32, #tpu.memory_space<vmem>>
        %dma_start3A_367 = tpu.memref_squeeze %dma_start3A_366 : memref<1x20x128xf32, #tpu.memory_space<vmem>> -> memref<20x128xf32, #tpu.memory_space<vmem>>
        %dma_start3A_368 = arith.constant 0 : i32
        %dma_start3A_369 = arith.constant 0 : i32
        %dma_start3A_370 = tpu.memref_slice %run_scoped3A[%rem3A_207, %dma_start3A_368, %dma_start3A_369] : memref<2x16x20xi32, #tpu.memory_space<vmem>> -> memref<1x16x20xi32, #tpu.memory_space<vmem>>
        %dma_start3A_371 = tpu.memref_squeeze %dma_start3A_370 : memref<1x16x20xi32, #tpu.memory_space<vmem>> -> memref<16x20xi32, #tpu.memory_space<vmem>>
        %dma_start3A_372 = arith.constant 0 : i32
        %dma_start3A_373 = tpu.memref_slice %dma_start3A_371[%dma_start3A_357, %dma_start3A_372] : memref<16x20xi32, #tpu.memory_space<vmem>> -> memref<1x20xi32, #tpu.memory_space<vmem>>
        %dma_start3A_374 = tpu.memref_squeeze %dma_start3A_373 : memref<1x20xi32, #tpu.memory_space<vmem>> -> memref<20xi32, #tpu.memory_space<vmem>>
        %dma_start3A_375 = arith.constant 0 : i32
        %dma_start3A_376 = arith.constant 0 : i32
        %dma_start3A_377 = tpu.memref_slice %arg2[%dma_start3A_375, %dma_start3A_376] : memref<100000x128xf32, #tpu.memory_space<hbm>> -> memref<100000x128xf32, #tpu.memory_space<hbm>>
        tpu.enqueue_indirect_dma source(%dma_start3A_377 : memref<100000x128xf32, #tpu.memory_space<hbm>>) target(%dma_start3A_367 : memref<20x128xf32, #tpu.memory_space<vmem>>) offsets(%dma_start3A_374 : memref<20xi32, #tpu.memory_space<vmem>>) semaphore(%arg5 : memref<!tpu.dma_semaphore, #tpu.memory_space<semaphore_mem>>)
        %dma_start3A_378 = arith.constant 8 : i32
        %dma_start3A_379 = arith.constant 8 : i32
        %dma_start3A_380 = arith.constant 0 : i32
        %dma_start3A_381 = arith.constant 0 : i32
        %dma_start3A_382 = arith.constant 0 : i32
        %dma_start3A_383 = tpu.memref_slice %run_scoped3A_8[%rem3A_209, %dma_start3A_380, %dma_start3A_381, %dma_start3A_382] : memref<2x16x20x128xf32, #tpu.memory_space<vmem>> -> memref<1x16x20x128xf32, #tpu.memory_space<vmem>>
        %dma_start3A_384 = tpu.memref_squeeze %dma_start3A_383 : memref<1x16x20x128xf32, #tpu.memory_space<vmem>> -> memref<16x20x128xf32, #tpu.memory_space<vmem>>
        %dma_start3A_385 = arith.constant 0 : i32
        %dma_start3A_386 = arith.constant 0 : i32
        %dma_start3A_387 = tpu.memref_slice %dma_start3A_384[%dma_start3A_379, %dma_start3A_385, %dma_start3A_386] : memref<16x20x128xf32, #tpu.memory_space<vmem>> -> memref<1x20x128xf32, #tpu.memory_space<vmem>>
        %dma_start3A_388 = tpu.memref_squeeze %dma_start3A_387 : memref<1x20x128xf32, #tpu.memory_space<vmem>> -> memref<20x128xf32, #tpu.memory_space<vmem>>
        %dma_start3A_389 = arith.constant 0 : i32
        %dma_start3A_390 = arith.constant 0 : i32
        %dma_start3A_391 = tpu.memref_slice %run_scoped3A[%rem3A_207, %dma_start3A_389, %dma_start3A_390] : memref<2x16x20xi32, #tpu.memory_space<vmem>> -> memref<1x16x20xi32, #tpu.memory_space<vmem>>
        %dma_start3A_392 = tpu.memref_squeeze %dma_start3A_391 : memref<1x16x20xi32, #tpu.memory_space<vmem>> -> memref<16x20xi32, #tpu.memory_space<vmem>>
        %dma_start3A_393 = arith.constant 0 : i32
        %dma_start3A_394 = tpu.memref_slice %dma_start3A_392[%dma_start3A_378, %dma_start3A_393] : memref<16x20xi32, #tpu.memory_space<vmem>> -> memref<1x20xi32, #tpu.memory_space<vmem>>
        %dma_start3A_395 = tpu.memref_squeeze %dma_start3A_394 : memref<1x20xi32, #tpu.memory_space<vmem>> -> memref<20xi32, #tpu.memory_space<vmem>>
        %dma_start3A_396 = arith.constant 0 : i32
        %dma_start3A_397 = arith.constant 0 : i32
        %dma_start3A_398 = tpu.memref_slice %arg2[%dma_start3A_396, %dma_start3A_397] : memref<100000x128xf32, #tpu.memory_space<hbm>> -> memref<100000x128xf32, #tpu.memory_space<hbm>>
        tpu.enqueue_indirect_dma source(%dma_start3A_398 : memref<100000x128xf32, #tpu.memory_space<hbm>>) target(%dma_start3A_388 : memref<20x128xf32, #tpu.memory_space<vmem>>) offsets(%dma_start3A_395 : memref<20xi32, #tpu.memory_space<vmem>>) semaphore(%arg5 : memref<!tpu.dma_semaphore, #tpu.memory_space<semaphore_mem>>)
        %dma_start3A_399 = arith.constant 9 : i32
        %dma_start3A_400 = arith.constant 9 : i32
        %dma_start3A_401 = arith.constant 0 : i32
        %dma_start3A_402 = arith.constant 0 : i32
        %dma_start3A_403 = arith.constant 0 : i32
        %dma_start3A_404 = tpu.memref_slice %run_scoped3A_8[%rem3A_209, %dma_start3A_401, %dma_start3A_402, %dma_start3A_403] : memref<2x16x20x128xf32, #tpu.memory_space<vmem>> -> memref<1x16x20x128xf32, #tpu.memory_space<vmem>>
        %dma_start3A_405 = tpu.memref_squeeze %dma_start3A_404 : memref<1x16x20x128xf32, #tpu.memory_space<vmem>> -> memref<16x20x128xf32, #tpu.memory_space<vmem>>
        %dma_start3A_406 = arith.constant 0 : i32
        %dma_start3A_407 = arith.constant 0 : i32
        %dma_start3A_408 = tpu.memref_slice %dma_start3A_405[%dma_start3A_400, %dma_start3A_406, %dma_start3A_407] : memref<16x20x128xf32, #tpu.memory_space<vmem>> -> memref<1x20x128xf32, #tpu.memory_space<vmem>>
        %dma_start3A_409 = tpu.memref_squeeze %dma_start3A_408 : memref<1x20x128xf32, #tpu.memory_space<vmem>> -> memref<20x128xf32, #tpu.memory_space<vmem>>
        %dma_start3A_410 = arith.constant 0 : i32
        %dma_start3A_411 = arith.constant 0 : i32
        %dma_start3A_412 = tpu.memref_slice %run_scoped3A[%rem3A_207, %dma_start3A_410, %dma_start3A_411] : memref<2x16x20xi32, #tpu.memory_space<vmem>> -> memref<1x16x20xi32, #tpu.memory_space<vmem>>
        %dma_start3A_413 = tpu.memref_squeeze %dma_start3A_412 : memref<1x16x20xi32, #tpu.memory_space<vmem>> -> memref<16x20xi32, #tpu.memory_space<vmem>>
        %dma_start3A_414 = arith.constant 0 : i32
        %dma_start3A_415 = tpu.memref_slice %dma_start3A_413[%dma_start3A_399, %dma_start3A_414] : memref<16x20xi32, #tpu.memory_space<vmem>> -> memref<1x20xi32, #tpu.memory_space<vmem>>
        %dma_start3A_416 = tpu.memref_squeeze %dma_start3A_415 : memref<1x20xi32, #tpu.memory_space<vmem>> -> memref<20xi32, #tpu.memory_space<vmem>>
        %dma_start3A_417 = arith.constant 0 : i32
        %dma_start3A_418 = arith.constant 0 : i32
        %dma_start3A_419 = tpu.memref_slice %arg2[%dma_start3A_417, %dma_start3A_418] : memref<100000x128xf32, #tpu.memory_space<hbm>> -> memref<100000x128xf32, #tpu.memory_space<hbm>>
        tpu.enqueue_indirect_dma source(%dma_start3A_419 : memref<100000x128xf32, #tpu.memory_space<hbm>>) target(%dma_start3A_409 : memref<20x128xf32, #tpu.memory_space<vmem>>) offsets(%dma_start3A_416 : memref<20xi32, #tpu.memory_space<vmem>>) semaphore(%arg5 : memref<!tpu.dma_semaphore, #tpu.memory_space<semaphore_mem>>)
        %dma_start3A_420 = arith.constant 10 : i32
        %dma_start3A_421 = arith.constant 10 : i32
        %dma_start3A_422 = arith.constant 0 : i32
        %dma_start3A_423 = arith.constant 0 : i32
        %dma_start3A_424 = arith.constant 0 : i32
        %dma_start3A_425 = tpu.memref_slice %run_scoped3A_8[%rem3A_209, %dma_start3A_422, %dma_start3A_423, %dma_start3A_424] : memref<2x16x20x128xf32, #tpu.memory_space<vmem>> -> memref<1x16x20x128xf32, #tpu.memory_space<vmem>>
        %dma_start3A_426 = tpu.memref_squeeze %dma_start3A_425 : memref<1x16x20x128xf32, #tpu.memory_space<vmem>> -> memref<16x20x128xf32, #tpu.memory_space<vmem>>
        %dma_start3A_427 = arith.constant 0 : i32
        %dma_start3A_428 = arith.constant 0 : i32
        %dma_start3A_429 = tpu.memref_slice %dma_start3A_426[%dma_start3A_421, %dma_start3A_427, %dma_start3A_428] : memref<16x20x128xf32, #tpu.memory_space<vmem>> -> memref<1x20x128xf32, #tpu.memory_space<vmem>>
        %dma_start3A_430 = tpu.memref_squeeze %dma_start3A_429 : memref<1x20x128xf32, #tpu.memory_space<vmem>> -> memref<20x128xf32, #tpu.memory_space<vmem>>
        %dma_start3A_431 = arith.constant 0 : i32
        %dma_start3A_432 = arith.constant 0 : i32
        %dma_start3A_433 = tpu.memref_slice %run_scoped3A[%rem3A_207, %dma_start3A_431, %dma_start3A_432] : memref<2x16x20xi32, #tpu.memory_space<vmem>> -> memref<1x16x20xi32, #tpu.memory_space<vmem>>
        %dma_start3A_434 = tpu.memref_squeeze %dma_start3A_433 : memref<1x16x20xi32, #tpu.memory_space<vmem>> -> memref<16x20xi32, #tpu.memory_space<vmem>>
        %dma_start3A_435 = arith.constant 0 : i32
        %dma_start3A_436 = tpu.memref_slice %dma_start3A_434[%dma_start3A_420, %dma_start3A_435] : memref<16x20xi32, #tpu.memory_space<vmem>> -> memref<1x20xi32, #tpu.memory_space<vmem>>
        %dma_start3A_437 = tpu.memref_squeeze %dma_start3A_436 : memref<1x20xi32, #tpu.memory_space<vmem>> -> memref<20xi32, #tpu.memory_space<vmem>>
        %dma_start3A_438 = arith.constant 0 : i32
        %dma_start3A_439 = arith.constant 0 : i32
        %dma_start3A_440 = tpu.memref_slice %arg2[%dma_start3A_438, %dma_start3A_439] : memref<100000x128xf32, #tpu.memory_space<hbm>> -> memref<100000x128xf32, #tpu.memory_space<hbm>>
        tpu.enqueue_indirect_dma source(%dma_start3A_440 : memref<100000x128xf32, #tpu.memory_space<hbm>>) target(%dma_start3A_430 : memref<20x128xf32, #tpu.memory_space<vmem>>) offsets(%dma_start3A_437 : memref<20xi32, #tpu.memory_space<vmem>>) semaphore(%arg5 : memref<!tpu.dma_semaphore, #tpu.memory_space<semaphore_mem>>)
        %dma_start3A_441 = arith.constant 11 : i32
        %dma_start3A_442 = arith.constant 11 : i32
        %dma_start3A_443 = arith.constant 0 : i32
        %dma_start3A_444 = arith.constant 0 : i32
        %dma_start3A_445 = arith.constant 0 : i32
        %dma_start3A_446 = tpu.memref_slice %run_scoped3A_8[%rem3A_209, %dma_start3A_443, %dma_start3A_444, %dma_start3A_445] : memref<2x16x20x128xf32, #tpu.memory_space<vmem>> -> memref<1x16x20x128xf32, #tpu.memory_space<vmem>>
        %dma_start3A_447 = tpu.memref_squeeze %dma_start3A_446 : memref<1x16x20x128xf32, #tpu.memory_space<vmem>> -> memref<16x20x128xf32, #tpu.memory_space<vmem>>
        %dma_start3A_448 = arith.constant 0 : i32
        %dma_start3A_449 = arith.constant 0 : i32
        %dma_start3A_450 = tpu.memref_slice %dma_start3A_447[%dma_start3A_442, %dma_start3A_448, %dma_start3A_449] : memref<16x20x128xf32, #tpu.memory_space<vmem>> -> memref<1x20x128xf32, #tpu.memory_space<vmem>>
        %dma_start3A_451 = tpu.memref_squeeze %dma_start3A_450 : memref<1x20x128xf32, #tpu.memory_space<vmem>> -> memref<20x128xf32, #tpu.memory_space<vmem>>
        %dma_start3A_452 = arith.constant 0 : i32
        %dma_start3A_453 = arith.constant 0 : i32
        %dma_start3A_454 = tpu.memref_slice %run_scoped3A[%rem3A_207, %dma_start3A_452, %dma_start3A_453] : memref<2x16x20xi32, #tpu.memory_space<vmem>> -> memref<1x16x20xi32, #tpu.memory_space<vmem>>
        %dma_start3A_455 = tpu.memref_squeeze %dma_start3A_454 : memref<1x16x20xi32, #tpu.memory_space<vmem>> -> memref<16x20xi32, #tpu.memory_space<vmem>>
        %dma_start3A_456 = arith.constant 0 : i32
        %dma_start3A_457 = tpu.memref_slice %dma_start3A_455[%dma_start3A_441, %dma_start3A_456] : memref<16x20xi32, #tpu.memory_space<vmem>> -> memref<1x20xi32, #tpu.memory_space<vmem>>
        %dma_start3A_458 = tpu.memref_squeeze %dma_start3A_457 : memref<1x20xi32, #tpu.memory_space<vmem>> -> memref<20xi32, #tpu.memory_space<vmem>>
        %dma_start3A_459 = arith.constant 0 : i32
        %dma_start3A_460 = arith.constant 0 : i32
        %dma_start3A_461 = tpu.memref_slice %arg2[%dma_start3A_459, %dma_start3A_460] : memref<100000x128xf32, #tpu.memory_space<hbm>> -> memref<100000x128xf32, #tpu.memory_space<hbm>>
        tpu.enqueue_indirect_dma source(%dma_start3A_461 : memref<100000x128xf32, #tpu.memory_space<hbm>>) target(%dma_start3A_451 : memref<20x128xf32, #tpu.memory_space<vmem>>) offsets(%dma_start3A_458 : memref<20xi32, #tpu.memory_space<vmem>>) semaphore(%arg5 : memref<!tpu.dma_semaphore, #tpu.memory_space<semaphore_mem>>)
        %dma_start3A_462 = arith.constant 12 : i32
        %dma_start3A_463 = arith.constant 12 : i32
        %dma_start3A_464 = arith.constant 0 : i32
        %dma_start3A_465 = arith.constant 0 : i32
        %dma_start3A_466 = arith.constant 0 : i32
        %dma_start3A_467 = tpu.memref_slice %run_scoped3A_8[%rem3A_209, %dma_start3A_464, %dma_start3A_465, %dma_start3A_466] : memref<2x16x20x128xf32, #tpu.memory_space<vmem>> -> memref<1x16x20x128xf32, #tpu.memory_space<vmem>>
        %dma_start3A_468 = tpu.memref_squeeze %dma_start3A_467 : memref<1x16x20x128xf32, #tpu.memory_space<vmem>> -> memref<16x20x128xf32, #tpu.memory_space<vmem>>
        %dma_start3A_469 = arith.constant 0 : i32
        %dma_start3A_470 = arith.constant 0 : i32
        %dma_start3A_471 = tpu.memref_slice %dma_start3A_468[%dma_start3A_463, %dma_start3A_469, %dma_start3A_470] : memref<16x20x128xf32, #tpu.memory_space<vmem>> -> memref<1x20x128xf32, #tpu.memory_space<vmem>>
        %dma_start3A_472 = tpu.memref_squeeze %dma_start3A_471 : memref<1x20x128xf32, #tpu.memory_space<vmem>> -> memref<20x128xf32, #tpu.memory_space<vmem>>
        %dma_start3A_473 = arith.constant 0 : i32
        %dma_start3A_474 = arith.constant 0 : i32
        %dma_start3A_475 = tpu.memref_slice %run_scoped3A[%rem3A_207, %dma_start3A_473, %dma_start3A_474] : memref<2x16x20xi32, #tpu.memory_space<vmem>> -> memref<1x16x20xi32, #tpu.memory_space<vmem>>
        %dma_start3A_476 = tpu.memref_squeeze %dma_start3A_475 : memref<1x16x20xi32, #tpu.memory_space<vmem>> -> memref<16x20xi32, #tpu.memory_space<vmem>>
        %dma_start3A_477 = arith.constant 0 : i32
        %dma_start3A_478 = tpu.memref_slice %dma_start3A_476[%dma_start3A_462, %dma_start3A_477] : memref<16x20xi32, #tpu.memory_space<vmem>> -> memref<1x20xi32, #tpu.memory_space<vmem>>
        %dma_start3A_479 = tpu.memref_squeeze %dma_start3A_478 : memref<1x20xi32, #tpu.memory_space<vmem>> -> memref<20xi32, #tpu.memory_space<vmem>>
        %dma_start3A_480 = arith.constant 0 : i32
        %dma_start3A_481 = arith.constant 0 : i32
        %dma_start3A_482 = tpu.memref_slice %arg2[%dma_start3A_480, %dma_start3A_481] : memref<100000x128xf32, #tpu.memory_space<hbm>> -> memref<100000x128xf32, #tpu.memory_space<hbm>>
        tpu.enqueue_indirect_dma source(%dma_start3A_482 : memref<100000x128xf32, #tpu.memory_space<hbm>>) target(%dma_start3A_472 : memref<20x128xf32, #tpu.memory_space<vmem>>) offsets(%dma_start3A_479 : memref<20xi32, #tpu.memory_space<vmem>>) semaphore(%arg5 : memref<!tpu.dma_semaphore, #tpu.memory_space<semaphore_mem>>)
        %dma_start3A_483 = arith.constant 13 : i32
        %dma_start3A_484 = arith.constant 13 : i32
        %dma_start3A_485 = arith.constant 0 : i32
        %dma_start3A_486 = arith.constant 0 : i32
        %dma_start3A_487 = arith.constant 0 : i32
        %dma_start3A_488 = tpu.memref_slice %run_scoped3A_8[%rem3A_209, %dma_start3A_485, %dma_start3A_486, %dma_start3A_487] : memref<2x16x20x128xf32, #tpu.memory_space<vmem>> -> memref<1x16x20x128xf32, #tpu.memory_space<vmem>>
        %dma_start3A_489 = tpu.memref_squeeze %dma_start3A_488 : memref<1x16x20x128xf32, #tpu.memory_space<vmem>> -> memref<16x20x128xf32, #tpu.memory_space<vmem>>
        %dma_start3A_490 = arith.constant 0 : i32
        %dma_start3A_491 = arith.constant 0 : i32
        %dma_start3A_492 = tpu.memref_slice %dma_start3A_489[%dma_start3A_484, %dma_start3A_490, %dma_start3A_491] : memref<16x20x128xf32, #tpu.memory_space<vmem>> -> memref<1x20x128xf32, #tpu.memory_space<vmem>>
        %dma_start3A_493 = tpu.memref_squeeze %dma_start3A_492 : memref<1x20x128xf32, #tpu.memory_space<vmem>> -> memref<20x128xf32, #tpu.memory_space<vmem>>
        %dma_start3A_494 = arith.constant 0 : i32
        %dma_start3A_495 = arith.constant 0 : i32
        %dma_start3A_496 = tpu.memref_slice %run_scoped3A[%rem3A_207, %dma_start3A_494, %dma_start3A_495] : memref<2x16x20xi32, #tpu.memory_space<vmem>> -> memref<1x16x20xi32, #tpu.memory_space<vmem>>
        %dma_start3A_497 = tpu.memref_squeeze %dma_start3A_496 : memref<1x16x20xi32, #tpu.memory_space<vmem>> -> memref<16x20xi32, #tpu.memory_space<vmem>>
        %dma_start3A_498 = arith.constant 0 : i32
        %dma_start3A_499 = tpu.memref_slice %dma_start3A_497[%dma_start3A_483, %dma_start3A_498] : memref<16x20xi32, #tpu.memory_space<vmem>> -> memref<1x20xi32, #tpu.memory_space<vmem>>
        %dma_start3A_500 = tpu.memref_squeeze %dma_start3A_499 : memref<1x20xi32, #tpu.memory_space<vmem>> -> memref<20xi32, #tpu.memory_space<vmem>>
        %dma_start3A_501 = arith.constant 0 : i32
        %dma_start3A_502 = arith.constant 0 : i32
        %dma_start3A_503 = tpu.memref_slice %arg2[%dma_start3A_501, %dma_start3A_502] : memref<100000x128xf32, #tpu.memory_space<hbm>> -> memref<100000x128xf32, #tpu.memory_space<hbm>>
        tpu.enqueue_indirect_dma source(%dma_start3A_503 : memref<100000x128xf32, #tpu.memory_space<hbm>>) target(%dma_start3A_493 : memref<20x128xf32, #tpu.memory_space<vmem>>) offsets(%dma_start3A_500 : memref<20xi32, #tpu.memory_space<vmem>>) semaphore(%arg5 : memref<!tpu.dma_semaphore, #tpu.memory_space<semaphore_mem>>)
        %dma_start3A_504 = arith.constant 14 : i32
        %dma_start3A_505 = arith.constant 14 : i32
        %dma_start3A_506 = arith.constant 0 : i32
        %dma_start3A_507 = arith.constant 0 : i32
        %dma_start3A_508 = arith.constant 0 : i32
        %dma_start3A_509 = tpu.memref_slice %run_scoped3A_8[%rem3A_209, %dma_start3A_506, %dma_start3A_507, %dma_start3A_508] : memref<2x16x20x128xf32, #tpu.memory_space<vmem>> -> memref<1x16x20x128xf32, #tpu.memory_space<vmem>>
        %dma_start3A_510 = tpu.memref_squeeze %dma_start3A_509 : memref<1x16x20x128xf32, #tpu.memory_space<vmem>> -> memref<16x20x128xf32, #tpu.memory_space<vmem>>
        %dma_start3A_511 = arith.constant 0 : i32
        %dma_start3A_512 = arith.constant 0 : i32
        %dma_start3A_513 = tpu.memref_slice %dma_start3A_510[%dma_start3A_505, %dma_start3A_511, %dma_start3A_512] : memref<16x20x128xf32, #tpu.memory_space<vmem>> -> memref<1x20x128xf32, #tpu.memory_space<vmem>>
        %dma_start3A_514 = tpu.memref_squeeze %dma_start3A_513 : memref<1x20x128xf32, #tpu.memory_space<vmem>> -> memref<20x128xf32, #tpu.memory_space<vmem>>
        %dma_start3A_515 = arith.constant 0 : i32
        %dma_start3A_516 = arith.constant 0 : i32
        %dma_start3A_517 = tpu.memref_slice %run_scoped3A[%rem3A_207, %dma_start3A_515, %dma_start3A_516] : memref<2x16x20xi32, #tpu.memory_space<vmem>> -> memref<1x16x20xi32, #tpu.memory_space<vmem>>
        %dma_start3A_518 = tpu.memref_squeeze %dma_start3A_517 : memref<1x16x20xi32, #tpu.memory_space<vmem>> -> memref<16x20xi32, #tpu.memory_space<vmem>>
        %dma_start3A_519 = arith.constant 0 : i32
        %dma_start3A_520 = tpu.memref_slice %dma_start3A_518[%dma_start3A_504, %dma_start3A_519] : memref<16x20xi32, #tpu.memory_space<vmem>> -> memref<1x20xi32, #tpu.memory_space<vmem>>
        %dma_start3A_521 = tpu.memref_squeeze %dma_start3A_520 : memref<1x20xi32, #tpu.memory_space<vmem>> -> memref<20xi32, #tpu.memory_space<vmem>>
        %dma_start3A_522 = arith.constant 0 : i32
        %dma_start3A_523 = arith.constant 0 : i32
        %dma_start3A_524 = tpu.memref_slice %arg2[%dma_start3A_522, %dma_start3A_523] : memref<100000x128xf32, #tpu.memory_space<hbm>> -> memref<100000x128xf32, #tpu.memory_space<hbm>>
        tpu.enqueue_indirect_dma source(%dma_start3A_524 : memref<100000x128xf32, #tpu.memory_space<hbm>>) target(%dma_start3A_514 : memref<20x128xf32, #tpu.memory_space<vmem>>) offsets(%dma_start3A_521 : memref<20xi32, #tpu.memory_space<vmem>>) semaphore(%arg5 : memref<!tpu.dma_semaphore, #tpu.memory_space<semaphore_mem>>)
        %dma_start3A_525 = arith.constant 15 : i32
        %dma_start3A_526 = arith.constant 15 : i32
        %dma_start3A_527 = arith.constant 0 : i32
        %dma_start3A_528 = arith.constant 0 : i32
        %dma_start3A_529 = arith.constant 0 : i32
        %dma_start3A_530 = tpu.memref_slice %run_scoped3A_8[%rem3A_209, %dma_start3A_527, %dma_start3A_528, %dma_start3A_529] : memref<2x16x20x128xf32, #tpu.memory_space<vmem>> -> memref<1x16x20x128xf32, #tpu.memory_space<vmem>>
        %dma_start3A_531 = tpu.memref_squeeze %dma_start3A_530 : memref<1x16x20x128xf32, #tpu.memory_space<vmem>> -> memref<16x20x128xf32, #tpu.memory_space<vmem>>
        %dma_start3A_532 = arith.constant 0 : i32
        %dma_start3A_533 = arith.constant 0 : i32
        %dma_start3A_534 = tpu.memref_slice %dma_start3A_531[%dma_start3A_526, %dma_start3A_532, %dma_start3A_533] : memref<16x20x128xf32, #tpu.memory_space<vmem>> -> memref<1x20x128xf32, #tpu.memory_space<vmem>>
        %dma_start3A_535 = tpu.memref_squeeze %dma_start3A_534 : memref<1x20x128xf32, #tpu.memory_space<vmem>> -> memref<20x128xf32, #tpu.memory_space<vmem>>
        %dma_start3A_536 = arith.constant 0 : i32
        %dma_start3A_537 = arith.constant 0 : i32
        %dma_start3A_538 = tpu.memref_slice %run_scoped3A[%rem3A_207, %dma_start3A_536, %dma_start3A_537] : memref<2x16x20xi32, #tpu.memory_space<vmem>> -> memref<1x16x20xi32, #tpu.memory_space<vmem>>
        %dma_start3A_539 = tpu.memref_squeeze %dma_start3A_538 : memref<1x16x20xi32, #tpu.memory_space<vmem>> -> memref<16x20xi32, #tpu.memory_space<vmem>>
        %dma_start3A_540 = arith.constant 0 : i32
        %dma_start3A_541 = tpu.memref_slice %dma_start3A_539[%dma_start3A_525, %dma_start3A_540] : memref<16x20xi32, #tpu.memory_space<vmem>> -> memref<1x20xi32, #tpu.memory_space<vmem>>
        %dma_start3A_542 = tpu.memref_squeeze %dma_start3A_541 : memref<1x20xi32, #tpu.memory_space<vmem>> -> memref<20xi32, #tpu.memory_space<vmem>>
        %dma_start3A_543 = arith.constant 0 : i32
        %dma_start3A_544 = arith.constant 0 : i32
        %dma_start3A_545 = tpu.memref_slice %arg2[%dma_start3A_543, %dma_start3A_544] : memref<100000x128xf32, #tpu.memory_space<hbm>> -> memref<100000x128xf32, #tpu.memory_space<hbm>>
        tpu.enqueue_indirect_dma source(%dma_start3A_545 : memref<100000x128xf32, #tpu.memory_space<hbm>>) target(%dma_start3A_535 : memref<20x128xf32, #tpu.memory_space<vmem>>) offsets(%dma_start3A_542 : memref<20xi32, #tpu.memory_space<vmem>>) semaphore(%arg5 : memref<!tpu.dma_semaphore, #tpu.memory_space<semaphore_mem>>)
        %dma_wait3A_546 = arith.constant 0 : i32
        %dma_wait3A_547 = arith.constant 0 : i32
        %dma_wait3A_548 = arith.constant 0 : i32
        %dma_wait3A_549 = arith.constant 0 : i32
        %dma_wait3A_550 = arith.constant 0 : i32
        %dma_wait3A_551 = tpu.memref_slice %run_scoped3A_8[%rem3A_209, %dma_wait3A_548, %dma_wait3A_549, %dma_wait3A_550] : memref<2x16x20x128xf32, #tpu.memory_space<vmem>> -> memref<1x16x20x128xf32, #tpu.memory_space<vmem>>
        %dma_wait3A_552 = tpu.memref_squeeze %dma_wait3A_551 : memref<1x16x20x128xf32, #tpu.memory_space<vmem>> -> memref<16x20x128xf32, #tpu.memory_space<vmem>>
        %dma_wait3A_553 = arith.constant 0 : i32
        %dma_wait3A_554 = arith.constant 0 : i32
        %dma_wait3A_555 = tpu.memref_slice %dma_wait3A_552[%dma_wait3A_547, %dma_wait3A_553, %dma_wait3A_554] : memref<16x20x128xf32, #tpu.memory_space<vmem>> -> memref<1x20x128xf32, #tpu.memory_space<vmem>>
        %dma_wait3A_556 = tpu.memref_squeeze %dma_wait3A_555 : memref<1x20x128xf32, #tpu.memory_space<vmem>> -> memref<20x128xf32, #tpu.memory_space<vmem>>
        %dma_wait3A_557 = arith.constant 0 : i32
        %dma_wait3A_558 = arith.constant 0 : i32
        %dma_wait3A_559 = tpu.memref_slice %run_scoped3A[%rem3A_207, %dma_wait3A_557, %dma_wait3A_558] : memref<2x16x20xi32, #tpu.memory_space<vmem>> -> memref<1x16x20xi32, #tpu.memory_space<vmem>>
        %dma_wait3A_560 = tpu.memref_squeeze %dma_wait3A_559 : memref<1x16x20xi32, #tpu.memory_space<vmem>> -> memref<16x20xi32, #tpu.memory_space<vmem>>
        %dma_wait3A_561 = arith.constant 0 : i32
        %dma_wait3A_562 = tpu.memref_slice %dma_wait3A_560[%dma_wait3A_546, %dma_wait3A_561] : memref<16x20xi32, #tpu.memory_space<vmem>> -> memref<1x20xi32, #tpu.memory_space<vmem>>
        %dma_wait3A_563 = tpu.memref_squeeze %dma_wait3A_562 : memref<1x20xi32, #tpu.memory_space<vmem>> -> memref<20xi32, #tpu.memory_space<vmem>>
        %dma_wait3A_564 = arith.constant 0 : i32
        %dma_wait3A_565 = arith.constant 0 : i32
        %dma_wait3A_566 = tpu.memref_slice %arg2[%dma_wait3A_564, %dma_wait3A_565] : memref<100000x128xf32, #tpu.memory_space<hbm>> -> memref<100000x128xf32, #tpu.memory_space<hbm>>
        tpu.wait_indirect_dma semaphore(%arg5 : memref<!tpu.dma_semaphore, #tpu.memory_space<semaphore_mem>>) src(%dma_wait3A_566 : memref<100000x128xf32, #tpu.memory_space<hbm>>) dst(%dma_wait3A_556 : memref<20x128xf32, #tpu.memory_space<vmem>>)
        %dma_wait3A_567 = arith.constant 1 : i32
        %dma_wait3A_568 = arith.constant 1 : i32
        %dma_wait3A_569 = arith.constant 0 : i32
        %dma_wait3A_570 = arith.constant 0 : i32
        %dma_wait3A_571 = arith.constant 0 : i32
        %dma_wait3A_572 = tpu.memref_slice %run_scoped3A_8[%rem3A_209, %dma_wait3A_569, %dma_wait3A_570, %dma_wait3A_571] : memref<2x16x20x128xf32, #tpu.memory_space<vmem>> -> memref<1x16x20x128xf32, #tpu.memory_space<vmem>>
        %dma_wait3A_573 = tpu.memref_squeeze %dma_wait3A_572 : memref<1x16x20x128xf32, #tpu.memory_space<vmem>> -> memref<16x20x128xf32, #tpu.memory_space<vmem>>
        %dma_wait3A_574 = arith.constant 0 : i32
        %dma_wait3A_575 = arith.constant 0 : i32
        %dma_wait3A_576 = tpu.memref_slice %dma_wait3A_573[%dma_wait3A_568, %dma_wait3A_574, %dma_wait3A_575] : memref<16x20x128xf32, #tpu.memory_space<vmem>> -> memref<1x20x128xf32, #tpu.memory_space<vmem>>
        %dma_wait3A_577 = tpu.memref_squeeze %dma_wait3A_576 : memref<1x20x128xf32, #tpu.memory_space<vmem>> -> memref<20x128xf32, #tpu.memory_space<vmem>>
        %dma_wait3A_578 = arith.constant 0 : i32
        %dma_wait3A_579 = arith.constant 0 : i32
        %dma_wait3A_580 = tpu.memref_slice %run_scoped3A[%rem3A_207, %dma_wait3A_578, %dma_wait3A_579] : memref<2x16x20xi32, #tpu.memory_space<vmem>> -> memref<1x16x20xi32, #tpu.memory_space<vmem>>
        %dma_wait3A_581 = tpu.memref_squeeze %dma_wait3A_580 : memref<1x16x20xi32, #tpu.memory_space<vmem>> -> memref<16x20xi32, #tpu.memory_space<vmem>>
        %dma_wait3A_582 = arith.constant 0 : i32
        %dma_wait3A_583 = tpu.memref_slice %dma_wait3A_581[%dma_wait3A_567, %dma_wait3A_582] : memref<16x20xi32, #tpu.memory_space<vmem>> -> memref<1x20xi32, #tpu.memory_space<vmem>>
        %dma_wait3A_584 = tpu.memref_squeeze %dma_wait3A_583 : memref<1x20xi32, #tpu.memory_space<vmem>> -> memref<20xi32, #tpu.memory_space<vmem>>
        %dma_wait3A_585 = arith.constant 0 : i32
        %dma_wait3A_586 = arith.constant 0 : i32
        %dma_wait3A_587 = tpu.memref_slice %arg2[%dma_wait3A_585, %dma_wait3A_586] : memref<100000x128xf32, #tpu.memory_space<hbm>> -> memref<100000x128xf32, #tpu.memory_space<hbm>>
        tpu.wait_indirect_dma semaphore(%arg5 : memref<!tpu.dma_semaphore, #tpu.memory_space<semaphore_mem>>) src(%dma_wait3A_587 : memref<100000x128xf32, #tpu.memory_space<hbm>>) dst(%dma_wait3A_577 : memref<20x128xf32, #tpu.memory_space<vmem>>)
        %dma_wait3A_588 = arith.constant 2 : i32
        %dma_wait3A_589 = arith.constant 2 : i32
        %dma_wait3A_590 = arith.constant 0 : i32
        %dma_wait3A_591 = arith.constant 0 : i32
        %dma_wait3A_592 = arith.constant 0 : i32
        %dma_wait3A_593 = tpu.memref_slice %run_scoped3A_8[%rem3A_209, %dma_wait3A_590, %dma_wait3A_591, %dma_wait3A_592] : memref<2x16x20x128xf32, #tpu.memory_space<vmem>> -> memref<1x16x20x128xf32, #tpu.memory_space<vmem>>
        %dma_wait3A_594 = tpu.memref_squeeze %dma_wait3A_593 : memref<1x16x20x128xf32, #tpu.memory_space<vmem>> -> memref<16x20x128xf32, #tpu.memory_space<vmem>>
        %dma_wait3A_595 = arith.constant 0 : i32
        %dma_wait3A_596 = arith.constant 0 : i32
        %dma_wait3A_597 = tpu.memref_slice %dma_wait3A_594[%dma_wait3A_589, %dma_wait3A_595, %dma_wait3A_596] : memref<16x20x128xf32, #tpu.memory_space<vmem>> -> memref<1x20x128xf32, #tpu.memory_space<vmem>>
        %dma_wait3A_598 = tpu.memref_squeeze %dma_wait3A_597 : memref<1x20x128xf32, #tpu.memory_space<vmem>> -> memref<20x128xf32, #tpu.memory_space<vmem>>
        %dma_wait3A_599 = arith.constant 0 : i32
        %dma_wait3A_600 = arith.constant 0 : i32
        %dma_wait3A_601 = tpu.memref_slice %run_scoped3A[%rem3A_207, %dma_wait3A_599, %dma_wait3A_600] : memref<2x16x20xi32, #tpu.memory_space<vmem>> -> memref<1x16x20xi32, #tpu.memory_space<vmem>>
        %dma_wait3A_602 = tpu.memref_squeeze %dma_wait3A_601 : memref<1x16x20xi32, #tpu.memory_space<vmem>> -> memref<16x20xi32, #tpu.memory_space<vmem>>
        %dma_wait3A_603 = arith.constant 0 : i32
        %dma_wait3A_604 = tpu.memref_slice %dma_wait3A_602[%dma_wait3A_588, %dma_wait3A_603] : memref<16x20xi32, #tpu.memory_space<vmem>> -> memref<1x20xi32, #tpu.memory_space<vmem>>
        %dma_wait3A_605 = tpu.memref_squeeze %dma_wait3A_604 : memref<1x20xi32, #tpu.memory_space<vmem>> -> memref<20xi32, #tpu.memory_space<vmem>>
        %dma_wait3A_606 = arith.constant 0 : i32
        %dma_wait3A_607 = arith.constant 0 : i32
        %dma_wait3A_608 = tpu.memref_slice %arg2[%dma_wait3A_606, %dma_wait3A_607] : memref<100000x128xf32, #tpu.memory_space<hbm>> -> memref<100000x128xf32, #tpu.memory_space<hbm>>
        tpu.wait_indirect_dma semaphore(%arg5 : memref<!tpu.dma_semaphore, #tpu.memory_space<semaphore_mem>>) src(%dma_wait3A_608 : memref<100000x128xf32, #tpu.memory_space<hbm>>) dst(%dma_wait3A_598 : memref<20x128xf32, #tpu.memory_space<vmem>>)
        %dma_wait3A_609 = arith.constant 3 : i32
        %dma_wait3A_610 = arith.constant 3 : i32
        %dma_wait3A_611 = arith.constant 0 : i32
        %dma_wait3A_612 = arith.constant 0 : i32
        %dma_wait3A_613 = arith.constant 0 : i32
        %dma_wait3A_614 = tpu.memref_slice %run_scoped3A_8[%rem3A_209, %dma_wait3A_611, %dma_wait3A_612, %dma_wait3A_613] : memref<2x16x20x128xf32, #tpu.memory_space<vmem>> -> memref<1x16x20x128xf32, #tpu.memory_space<vmem>>
        %dma_wait3A_615 = tpu.memref_squeeze %dma_wait3A_614 : memref<1x16x20x128xf32, #tpu.memory_space<vmem>> -> memref<16x20x128xf32, #tpu.memory_space<vmem>>
        %dma_wait3A_616 = arith.constant 0 : i32
        %dma_wait3A_617 = arith.constant 0 : i32
        %dma_wait3A_618 = tpu.memref_slice %dma_wait3A_615[%dma_wait3A_610, %dma_wait3A_616, %dma_wait3A_617] : memref<16x20x128xf32, #tpu.memory_space<vmem>> -> memref<1x20x128xf32, #tpu.memory_space<vmem>>
        %dma_wait3A_619 = tpu.memref_squeeze %dma_wait3A_618 : memref<1x20x128xf32, #tpu.memory_space<vmem>> -> memref<20x128xf32, #tpu.memory_space<vmem>>
        %dma_wait3A_620 = arith.constant 0 : i32
        %dma_wait3A_621 = arith.constant 0 : i32
        %dma_wait3A_622 = tpu.memref_slice %run_scoped3A[%rem3A_207, %dma_wait3A_620, %dma_wait3A_621] : memref<2x16x20xi32, #tpu.memory_space<vmem>> -> memref<1x16x20xi32, #tpu.memory_space<vmem>>
        %dma_wait3A_623 = tpu.memref_squeeze %dma_wait3A_622 : memref<1x16x20xi32, #tpu.memory_space<vmem>> -> memref<16x20xi32, #tpu.memory_space<vmem>>
        %dma_wait3A_624 = arith.constant 0 : i32
        %dma_wait3A_625 = tpu.memref_slice %dma_wait3A_623[%dma_wait3A_609, %dma_wait3A_624] : memref<16x20xi32, #tpu.memory_space<vmem>> -> memref<1x20xi32, #tpu.memory_space<vmem>>
        %dma_wait3A_626 = tpu.memref_squeeze %dma_wait3A_625 : memref<1x20xi32, #tpu.memory_space<vmem>> -> memref<20xi32, #tpu.memory_space<vmem>>
        %dma_wait3A_627 = arith.constant 0 : i32
        %dma_wait3A_628 = arith.constant 0 : i32
        %dma_wait3A_629 = tpu.memref_slice %arg2[%dma_wait3A_627, %dma_wait3A_628] : memref<100000x128xf32, #tpu.memory_space<hbm>> -> memref<100000x128xf32, #tpu.memory_space<hbm>>
        tpu.wait_indirect_dma semaphore(%arg5 : memref<!tpu.dma_semaphore, #tpu.memory_space<semaphore_mem>>) src(%dma_wait3A_629 : memref<100000x128xf32, #tpu.memory_space<hbm>>) dst(%dma_wait3A_619 : memref<20x128xf32, #tpu.memory_space<vmem>>)
        %dma_wait3A_630 = arith.constant 4 : i32
        %dma_wait3A_631 = arith.constant 4 : i32
        %dma_wait3A_632 = arith.constant 0 : i32
        %dma_wait3A_633 = arith.constant 0 : i32
        %dma_wait3A_634 = arith.constant 0 : i32
        %dma_wait3A_635 = tpu.memref_slice %run_scoped3A_8[%rem3A_209, %dma_wait3A_632, %dma_wait3A_633, %dma_wait3A_634] : memref<2x16x20x128xf32, #tpu.memory_space<vmem>> -> memref<1x16x20x128xf32, #tpu.memory_space<vmem>>
        %dma_wait3A_636 = tpu.memref_squeeze %dma_wait3A_635 : memref<1x16x20x128xf32, #tpu.memory_space<vmem>> -> memref<16x20x128xf32, #tpu.memory_space<vmem>>
        %dma_wait3A_637 = arith.constant 0 : i32
        %dma_wait3A_638 = arith.constant 0 : i32
        %dma_wait3A_639 = tpu.memref_slice %dma_wait3A_636[%dma_wait3A_631, %dma_wait3A_637, %dma_wait3A_638] : memref<16x20x128xf32, #tpu.memory_space<vmem>> -> memref<1x20x128xf32, #tpu.memory_space<vmem>>
        %dma_wait3A_640 = tpu.memref_squeeze %dma_wait3A_639 : memref<1x20x128xf32, #tpu.memory_space<vmem>> -> memref<20x128xf32, #tpu.memory_space<vmem>>
        %dma_wait3A_641 = arith.constant 0 : i32
        %dma_wait3A_642 = arith.constant 0 : i32
        %dma_wait3A_643 = tpu.memref_slice %run_scoped3A[%rem3A_207, %dma_wait3A_641, %dma_wait3A_642] : memref<2x16x20xi32, #tpu.memory_space<vmem>> -> memref<1x16x20xi32, #tpu.memory_space<vmem>>
        %dma_wait3A_644 = tpu.memref_squeeze %dma_wait3A_643 : memref<1x16x20xi32, #tpu.memory_space<vmem>> -> memref<16x20xi32, #tpu.memory_space<vmem>>
        %dma_wait3A_645 = arith.constant 0 : i32
        %dma_wait3A_646 = tpu.memref_slice %dma_wait3A_644[%dma_wait3A_630, %dma_wait3A_645] : memref<16x20xi32, #tpu.memory_space<vmem>> -> memref<1x20xi32, #tpu.memory_space<vmem>>
        %dma_wait3A_647 = tpu.memref_squeeze %dma_wait3A_646 : memref<1x20xi32, #tpu.memory_space<vmem>> -> memref<20xi32, #tpu.memory_space<vmem>>
        %dma_wait3A_648 = arith.constant 0 : i32
        %dma_wait3A_649 = arith.constant 0 : i32
        %dma_wait3A_650 = tpu.memref_slice %arg2[%dma_wait3A_648, %dma_wait3A_649] : memref<100000x128xf32, #tpu.memory_space<hbm>> -> memref<100000x128xf32, #tpu.memory_space<hbm>>
        tpu.wait_indirect_dma semaphore(%arg5 : memref<!tpu.dma_semaphore, #tpu.memory_space<semaphore_mem>>) src(%dma_wait3A_650 : memref<100000x128xf32, #tpu.memory_space<hbm>>) dst(%dma_wait3A_640 : memref<20x128xf32, #tpu.memory_space<vmem>>)
        %dma_wait3A_651 = arith.constant 5 : i32
        %dma_wait3A_652 = arith.constant 5 : i32
        %dma_wait3A_653 = arith.constant 0 : i32
        %dma_wait3A_654 = arith.constant 0 : i32
        %dma_wait3A_655 = arith.constant 0 : i32
        %dma_wait3A_656 = tpu.memref_slice %run_scoped3A_8[%rem3A_209, %dma_wait3A_653, %dma_wait3A_654, %dma_wait3A_655] : memref<2x16x20x128xf32, #tpu.memory_space<vmem>> -> memref<1x16x20x128xf32, #tpu.memory_space<vmem>>
        %dma_wait3A_657 = tpu.memref_squeeze %dma_wait3A_656 : memref<1x16x20x128xf32, #tpu.memory_space<vmem>> -> memref<16x20x128xf32, #tpu.memory_space<vmem>>
        %dma_wait3A_658 = arith.constant 0 : i32
        %dma_wait3A_659 = arith.constant 0 : i32
        %dma_wait3A_660 = tpu.memref_slice %dma_wait3A_657[%dma_wait3A_652, %dma_wait3A_658, %dma_wait3A_659] : memref<16x20x128xf32, #tpu.memory_space<vmem>> -> memref<1x20x128xf32, #tpu.memory_space<vmem>>
        %dma_wait3A_661 = tpu.memref_squeeze %dma_wait3A_660 : memref<1x20x128xf32, #tpu.memory_space<vmem>> -> memref<20x128xf32, #tpu.memory_space<vmem>>
        %dma_wait3A_662 = arith.constant 0 : i32
        %dma_wait3A_663 = arith.constant 0 : i32
        %dma_wait3A_664 = tpu.memref_slice %run_scoped3A[%rem3A_207, %dma_wait3A_662, %dma_wait3A_663] : memref<2x16x20xi32, #tpu.memory_space<vmem>> -> memref<1x16x20xi32, #tpu.memory_space<vmem>>
        %dma_wait3A_665 = tpu.memref_squeeze %dma_wait3A_664 : memref<1x16x20xi32, #tpu.memory_space<vmem>> -> memref<16x20xi32, #tpu.memory_space<vmem>>
        %dma_wait3A_666 = arith.constant 0 : i32
        %dma_wait3A_667 = tpu.memref_slice %dma_wait3A_665[%dma_wait3A_651, %dma_wait3A_666] : memref<16x20xi32, #tpu.memory_space<vmem>> -> memref<1x20xi32, #tpu.memory_space<vmem>>
        %dma_wait3A_668 = tpu.memref_squeeze %dma_wait3A_667 : memref<1x20xi32, #tpu.memory_space<vmem>> -> memref<20xi32, #tpu.memory_space<vmem>>
        %dma_wait3A_669 = arith.constant 0 : i32
        %dma_wait3A_670 = arith.constant 0 : i32
        %dma_wait3A_671 = tpu.memref_slice %arg2[%dma_wait3A_669, %dma_wait3A_670] : memref<100000x128xf32, #tpu.memory_space<hbm>> -> memref<100000x128xf32, #tpu.memory_space<hbm>>
        tpu.wait_indirect_dma semaphore(%arg5 : memref<!tpu.dma_semaphore, #tpu.memory_space<semaphore_mem>>) src(%dma_wait3A_671 : memref<100000x128xf32, #tpu.memory_space<hbm>>) dst(%dma_wait3A_661 : memref<20x128xf32, #tpu.memory_space<vmem>>)
        %dma_wait3A_672 = arith.constant 6 : i32
        %dma_wait3A_673 = arith.constant 6 : i32
        %dma_wait3A_674 = arith.constant 0 : i32
        %dma_wait3A_675 = arith.constant 0 : i32
        %dma_wait3A_676 = arith.constant 0 : i32
        %dma_wait3A_677 = tpu.memref_slice %run_scoped3A_8[%rem3A_209, %dma_wait3A_674, %dma_wait3A_675, %dma_wait3A_676] : memref<2x16x20x128xf32, #tpu.memory_space<vmem>> -> memref<1x16x20x128xf32, #tpu.memory_space<vmem>>
        %dma_wait3A_678 = tpu.memref_squeeze %dma_wait3A_677 : memref<1x16x20x128xf32, #tpu.memory_space<vmem>> -> memref<16x20x128xf32, #tpu.memory_space<vmem>>
        %dma_wait3A_679 = arith.constant 0 : i32
        %dma_wait3A_680 = arith.constant 0 : i32
        %dma_wait3A_681 = tpu.memref_slice %dma_wait3A_678[%dma_wait3A_673, %dma_wait3A_679, %dma_wait3A_680] : memref<16x20x128xf32, #tpu.memory_space<vmem>> -> memref<1x20x128xf32, #tpu.memory_space<vmem>>
        %dma_wait3A_682 = tpu.memref_squeeze %dma_wait3A_681 : memref<1x20x128xf32, #tpu.memory_space<vmem>> -> memref<20x128xf32, #tpu.memory_space<vmem>>
        %dma_wait3A_683 = arith.constant 0 : i32
        %dma_wait3A_684 = arith.constant 0 : i32
        %dma_wait3A_685 = tpu.memref_slice %run_scoped3A[%rem3A_207, %dma_wait3A_683, %dma_wait3A_684] : memref<2x16x20xi32, #tpu.memory_space<vmem>> -> memref<1x16x20xi32, #tpu.memory_space<vmem>>
        %dma_wait3A_686 = tpu.memref_squeeze %dma_wait3A_685 : memref<1x16x20xi32, #tpu.memory_space<vmem>> -> memref<16x20xi32, #tpu.memory_space<vmem>>
        %dma_wait3A_687 = arith.constant 0 : i32
        %dma_wait3A_688 = tpu.memref_slice %dma_wait3A_686[%dma_wait3A_672, %dma_wait3A_687] : memref<16x20xi32, #tpu.memory_space<vmem>> -> memref<1x20xi32, #tpu.memory_space<vmem>>
        %dma_wait3A_689 = tpu.memref_squeeze %dma_wait3A_688 : memref<1x20xi32, #tpu.memory_space<vmem>> -> memref<20xi32, #tpu.memory_space<vmem>>
        %dma_wait3A_690 = arith.constant 0 : i32
        %dma_wait3A_691 = arith.constant 0 : i32
        %dma_wait3A_692 = tpu.memref_slice %arg2[%dma_wait3A_690, %dma_wait3A_691] : memref<100000x128xf32, #tpu.memory_space<hbm>> -> memref<100000x128xf32, #tpu.memory_space<hbm>>
        tpu.wait_indirect_dma semaphore(%arg5 : memref<!tpu.dma_semaphore, #tpu.memory_space<semaphore_mem>>) src(%dma_wait3A_692 : memref<100000x128xf32, #tpu.memory_space<hbm>>) dst(%dma_wait3A_682 : memref<20x128xf32, #tpu.memory_space<vmem>>)
        %dma_wait3A_693 = arith.constant 7 : i32
        %dma_wait3A_694 = arith.constant 7 : i32
        %dma_wait3A_695 = arith.constant 0 : i32
        %dma_wait3A_696 = arith.constant 0 : i32
        %dma_wait3A_697 = arith.constant 0 : i32
        %dma_wait3A_698 = tpu.memref_slice %run_scoped3A_8[%rem3A_209, %dma_wait3A_695, %dma_wait3A_696, %dma_wait3A_697] : memref<2x16x20x128xf32, #tpu.memory_space<vmem>> -> memref<1x16x20x128xf32, #tpu.memory_space<vmem>>
        %dma_wait3A_699 = tpu.memref_squeeze %dma_wait3A_698 : memref<1x16x20x128xf32, #tpu.memory_space<vmem>> -> memref<16x20x128xf32, #tpu.memory_space<vmem>>
        %dma_wait3A_700 = arith.constant 0 : i32
        %dma_wait3A_701 = arith.constant 0 : i32
        %dma_wait3A_702 = tpu.memref_slice %dma_wait3A_699[%dma_wait3A_694, %dma_wait3A_700, %dma_wait3A_701] : memref<16x20x128xf32, #tpu.memory_space<vmem>> -> memref<1x20x128xf32, #tpu.memory_space<vmem>>
        %dma_wait3A_703 = tpu.memref_squeeze %dma_wait3A_702 : memref<1x20x128xf32, #tpu.memory_space<vmem>> -> memref<20x128xf32, #tpu.memory_space<vmem>>
        %dma_wait3A_704 = arith.constant 0 : i32
        %dma_wait3A_705 = arith.constant 0 : i32
        %dma_wait3A_706 = tpu.memref_slice %run_scoped3A[%rem3A_207, %dma_wait3A_704, %dma_wait3A_705] : memref<2x16x20xi32, #tpu.memory_space<vmem>> -> memref<1x16x20xi32, #tpu.memory_space<vmem>>
        %dma_wait3A_707 = tpu.memref_squeeze %dma_wait3A_706 : memref<1x16x20xi32, #tpu.memory_space<vmem>> -> memref<16x20xi32, #tpu.memory_space<vmem>>
        %dma_wait3A_708 = arith.constant 0 : i32
        %dma_wait3A_709 = tpu.memref_slice %dma_wait3A_707[%dma_wait3A_693, %dma_wait3A_708] : memref<16x20xi32, #tpu.memory_space<vmem>> -> memref<1x20xi32, #tpu.memory_space<vmem>>
        %dma_wait3A_710 = tpu.memref_squeeze %dma_wait3A_709 : memref<1x20xi32, #tpu.memory_space<vmem>> -> memref<20xi32, #tpu.memory_space<vmem>>
        %dma_wait3A_711 = arith.constant 0 : i32
        %dma_wait3A_712 = arith.constant 0 : i32
        %dma_wait3A_713 = tpu.memref_slice %arg2[%dma_wait3A_711, %dma_wait3A_712] : memref<100000x128xf32, #tpu.memory_space<hbm>> -> memref<100000x128xf32, #tpu.memory_space<hbm>>
        tpu.wait_indirect_dma semaphore(%arg5 : memref<!tpu.dma_semaphore, #tpu.memory_space<semaphore_mem>>) src(%dma_wait3A_713 : memref<100000x128xf32, #tpu.memory_space<hbm>>) dst(%dma_wait3A_703 : memref<20x128xf32, #tpu.memory_space<vmem>>)
        %dma_wait3A_714 = arith.constant 8 : i32
        %dma_wait3A_715 = arith.constant 8 : i32
        %dma_wait3A_716 = arith.constant 0 : i32
        %dma_wait3A_717 = arith.constant 0 : i32
        %dma_wait3A_718 = arith.constant 0 : i32
        %dma_wait3A_719 = tpu.memref_slice %run_scoped3A_8[%rem3A_209, %dma_wait3A_716, %dma_wait3A_717, %dma_wait3A_718] : memref<2x16x20x128xf32, #tpu.memory_space<vmem>> -> memref<1x16x20x128xf32, #tpu.memory_space<vmem>>
        %dma_wait3A_720 = tpu.memref_squeeze %dma_wait3A_719 : memref<1x16x20x128xf32, #tpu.memory_space<vmem>> -> memref<16x20x128xf32, #tpu.memory_space<vmem>>
        %dma_wait3A_721 = arith.constant 0 : i32
        %dma_wait3A_722 = arith.constant 0 : i32
        %dma_wait3A_723 = tpu.memref_slice %dma_wait3A_720[%dma_wait3A_715, %dma_wait3A_721, %dma_wait3A_722] : memref<16x20x128xf32, #tpu.memory_space<vmem>> -> memref<1x20x128xf32, #tpu.memory_space<vmem>>
        %dma_wait3A_724 = tpu.memref_squeeze %dma_wait3A_723 : memref<1x20x128xf32, #tpu.memory_space<vmem>> -> memref<20x128xf32, #tpu.memory_space<vmem>>
        %dma_wait3A_725 = arith.constant 0 : i32
        %dma_wait3A_726 = arith.constant 0 : i32
        %dma_wait3A_727 = tpu.memref_slice %run_scoped3A[%rem3A_207, %dma_wait3A_725, %dma_wait3A_726] : memref<2x16x20xi32, #tpu.memory_space<vmem>> -> memref<1x16x20xi32, #tpu.memory_space<vmem>>
        %dma_wait3A_728 = tpu.memref_squeeze %dma_wait3A_727 : memref<1x16x20xi32, #tpu.memory_space<vmem>> -> memref<16x20xi32, #tpu.memory_space<vmem>>
        %dma_wait3A_729 = arith.constant 0 : i32
        %dma_wait3A_730 = tpu.memref_slice %dma_wait3A_728[%dma_wait3A_714, %dma_wait3A_729] : memref<16x20xi32, #tpu.memory_space<vmem>> -> memref<1x20xi32, #tpu.memory_space<vmem>>
        %dma_wait3A_731 = tpu.memref_squeeze %dma_wait3A_730 : memref<1x20xi32, #tpu.memory_space<vmem>> -> memref<20xi32, #tpu.memory_space<vmem>>
        %dma_wait3A_732 = arith.constant 0 : i32
        %dma_wait3A_733 = arith.constant 0 : i32
        %dma_wait3A_734 = tpu.memref_slice %arg2[%dma_wait3A_732, %dma_wait3A_733] : memref<100000x128xf32, #tpu.memory_space<hbm>> -> memref<100000x128xf32, #tpu.memory_space<hbm>>
        tpu.wait_indirect_dma semaphore(%arg5 : memref<!tpu.dma_semaphore, #tpu.memory_space<semaphore_mem>>) src(%dma_wait3A_734 : memref<100000x128xf32, #tpu.memory_space<hbm>>) dst(%dma_wait3A_724 : memref<20x128xf32, #tpu.memory_space<vmem>>)
        %dma_wait3A_735 = arith.constant 9 : i32
        %dma_wait3A_736 = arith.constant 9 : i32
        %dma_wait3A_737 = arith.constant 0 : i32
        %dma_wait3A_738 = arith.constant 0 : i32
        %dma_wait3A_739 = arith.constant 0 : i32
        %dma_wait3A_740 = tpu.memref_slice %run_scoped3A_8[%rem3A_209, %dma_wait3A_737, %dma_wait3A_738, %dma_wait3A_739] : memref<2x16x20x128xf32, #tpu.memory_space<vmem>> -> memref<1x16x20x128xf32, #tpu.memory_space<vmem>>
        %dma_wait3A_741 = tpu.memref_squeeze %dma_wait3A_740 : memref<1x16x20x128xf32, #tpu.memory_space<vmem>> -> memref<16x20x128xf32, #tpu.memory_space<vmem>>
        %dma_wait3A_742 = arith.constant 0 : i32
        %dma_wait3A_743 = arith.constant 0 : i32
        %dma_wait3A_744 = tpu.memref_slice %dma_wait3A_741[%dma_wait3A_736, %dma_wait3A_742, %dma_wait3A_743] : memref<16x20x128xf32, #tpu.memory_space<vmem>> -> memref<1x20x128xf32, #tpu.memory_space<vmem>>
        %dma_wait3A_745 = tpu.memref_squeeze %dma_wait3A_744 : memref<1x20x128xf32, #tpu.memory_space<vmem>> -> memref<20x128xf32, #tpu.memory_space<vmem>>
        %dma_wait3A_746 = arith.constant 0 : i32
        %dma_wait3A_747 = arith.constant 0 : i32
        %dma_wait3A_748 = tpu.memref_slice %run_scoped3A[%rem3A_207, %dma_wait3A_746, %dma_wait3A_747] : memref<2x16x20xi32, #tpu.memory_space<vmem>> -> memref<1x16x20xi32, #tpu.memory_space<vmem>>
        %dma_wait3A_749 = tpu.memref_squeeze %dma_wait3A_748 : memref<1x16x20xi32, #tpu.memory_space<vmem>> -> memref<16x20xi32, #tpu.memory_space<vmem>>
        %dma_wait3A_750 = arith.constant 0 : i32
        %dma_wait3A_751 = tpu.memref_slice %dma_wait3A_749[%dma_wait3A_735, %dma_wait3A_750] : memref<16x20xi32, #tpu.memory_space<vmem>> -> memref<1x20xi32, #tpu.memory_space<vmem>>
        %dma_wait3A_752 = tpu.memref_squeeze %dma_wait3A_751 : memref<1x20xi32, #tpu.memory_space<vmem>> -> memref<20xi32, #tpu.memory_space<vmem>>
        %dma_wait3A_753 = arith.constant 0 : i32
        %dma_wait3A_754 = arith.constant 0 : i32
        %dma_wait3A_755 = tpu.memref_slice %arg2[%dma_wait3A_753, %dma_wait3A_754] : memref<100000x128xf32, #tpu.memory_space<hbm>> -> memref<100000x128xf32, #tpu.memory_space<hbm>>
        tpu.wait_indirect_dma semaphore(%arg5 : memref<!tpu.dma_semaphore, #tpu.memory_space<semaphore_mem>>) src(%dma_wait3A_755 : memref<100000x128xf32, #tpu.memory_space<hbm>>) dst(%dma_wait3A_745 : memref<20x128xf32, #tpu.memory_space<vmem>>)
        %dma_wait3A_756 = arith.constant 10 : i32
        %dma_wait3A_757 = arith.constant 10 : i32
        %dma_wait3A_758 = arith.constant 0 : i32
        %dma_wait3A_759 = arith.constant 0 : i32
        %dma_wait3A_760 = arith.constant 0 : i32
        %dma_wait3A_761 = tpu.memref_slice %run_scoped3A_8[%rem3A_209, %dma_wait3A_758, %dma_wait3A_759, %dma_wait3A_760] : memref<2x16x20x128xf32, #tpu.memory_space<vmem>> -> memref<1x16x20x128xf32, #tpu.memory_space<vmem>>
        %dma_wait3A_762 = tpu.memref_squeeze %dma_wait3A_761 : memref<1x16x20x128xf32, #tpu.memory_space<vmem>> -> memref<16x20x128xf32, #tpu.memory_space<vmem>>
        %dma_wait3A_763 = arith.constant 0 : i32
        %dma_wait3A_764 = arith.constant 0 : i32
        %dma_wait3A_765 = tpu.memref_slice %dma_wait3A_762[%dma_wait3A_757, %dma_wait3A_763, %dma_wait3A_764] : memref<16x20x128xf32, #tpu.memory_space<vmem>> -> memref<1x20x128xf32, #tpu.memory_space<vmem>>
        %dma_wait3A_766 = tpu.memref_squeeze %dma_wait3A_765 : memref<1x20x128xf32, #tpu.memory_space<vmem>> -> memref<20x128xf32, #tpu.memory_space<vmem>>
        %dma_wait3A_767 = arith.constant 0 : i32
        %dma_wait3A_768 = arith.constant 0 : i32
        %dma_wait3A_769 = tpu.memref_slice %run_scoped3A[%rem3A_207, %dma_wait3A_767, %dma_wait3A_768] : memref<2x16x20xi32, #tpu.memory_space<vmem>> -> memref<1x16x20xi32, #tpu.memory_space<vmem>>
        %dma_wait3A_770 = tpu.memref_squeeze %dma_wait3A_769 : memref<1x16x20xi32, #tpu.memory_space<vmem>> -> memref<16x20xi32, #tpu.memory_space<vmem>>
        %dma_wait3A_771 = arith.constant 0 : i32
        %dma_wait3A_772 = tpu.memref_slice %dma_wait3A_770[%dma_wait3A_756, %dma_wait3A_771] : memref<16x20xi32, #tpu.memory_space<vmem>> -> memref<1x20xi32, #tpu.memory_space<vmem>>
        %dma_wait3A_773 = tpu.memref_squeeze %dma_wait3A_772 : memref<1x20xi32, #tpu.memory_space<vmem>> -> memref<20xi32, #tpu.memory_space<vmem>>
        %dma_wait3A_774 = arith.constant 0 : i32
        %dma_wait3A_775 = arith.constant 0 : i32
        %dma_wait3A_776 = tpu.memref_slice %arg2[%dma_wait3A_774, %dma_wait3A_775] : memref<100000x128xf32, #tpu.memory_space<hbm>> -> memref<100000x128xf32, #tpu.memory_space<hbm>>
        tpu.wait_indirect_dma semaphore(%arg5 : memref<!tpu.dma_semaphore, #tpu.memory_space<semaphore_mem>>) src(%dma_wait3A_776 : memref<100000x128xf32, #tpu.memory_space<hbm>>) dst(%dma_wait3A_766 : memref<20x128xf32, #tpu.memory_space<vmem>>)
        %dma_wait3A_777 = arith.constant 11 : i32
        %dma_wait3A_778 = arith.constant 11 : i32
        %dma_wait3A_779 = arith.constant 0 : i32
        %dma_wait3A_780 = arith.constant 0 : i32
        %dma_wait3A_781 = arith.constant 0 : i32
        %dma_wait3A_782 = tpu.memref_slice %run_scoped3A_8[%rem3A_209, %dma_wait3A_779, %dma_wait3A_780, %dma_wait3A_781] : memref<2x16x20x128xf32, #tpu.memory_space<vmem>> -> memref<1x16x20x128xf32, #tpu.memory_space<vmem>>
        %dma_wait3A_783 = tpu.memref_squeeze %dma_wait3A_782 : memref<1x16x20x128xf32, #tpu.memory_space<vmem>> -> memref<16x20x128xf32, #tpu.memory_space<vmem>>
        %dma_wait3A_784 = arith.constant 0 : i32
        %dma_wait3A_785 = arith.constant 0 : i32
        %dma_wait3A_786 = tpu.memref_slice %dma_wait3A_783[%dma_wait3A_778, %dma_wait3A_784, %dma_wait3A_785] : memref<16x20x128xf32, #tpu.memory_space<vmem>> -> memref<1x20x128xf32, #tpu.memory_space<vmem>>
        %dma_wait3A_787 = tpu.memref_squeeze %dma_wait3A_786 : memref<1x20x128xf32, #tpu.memory_space<vmem>> -> memref<20x128xf32, #tpu.memory_space<vmem>>
        %dma_wait3A_788 = arith.constant 0 : i32
        %dma_wait3A_789 = arith.constant 0 : i32
        %dma_wait3A_790 = tpu.memref_slice %run_scoped3A[%rem3A_207, %dma_wait3A_788, %dma_wait3A_789] : memref<2x16x20xi32, #tpu.memory_space<vmem>> -> memref<1x16x20xi32, #tpu.memory_space<vmem>>
        %dma_wait3A_791 = tpu.memref_squeeze %dma_wait3A_790 : memref<1x16x20xi32, #tpu.memory_space<vmem>> -> memref<16x20xi32, #tpu.memory_space<vmem>>
        %dma_wait3A_792 = arith.constant 0 : i32
        %dma_wait3A_793 = tpu.memref_slice %dma_wait3A_791[%dma_wait3A_777, %dma_wait3A_792] : memref<16x20xi32, #tpu.memory_space<vmem>> -> memref<1x20xi32, #tpu.memory_space<vmem>>
        %dma_wait3A_794 = tpu.memref_squeeze %dma_wait3A_793 : memref<1x20xi32, #tpu.memory_space<vmem>> -> memref<20xi32, #tpu.memory_space<vmem>>
        %dma_wait3A_795 = arith.constant 0 : i32
        %dma_wait3A_796 = arith.constant 0 : i32
        %dma_wait3A_797 = tpu.memref_slice %arg2[%dma_wait3A_795, %dma_wait3A_796] : memref<100000x128xf32, #tpu.memory_space<hbm>> -> memref<100000x128xf32, #tpu.memory_space<hbm>>
        tpu.wait_indirect_dma semaphore(%arg5 : memref<!tpu.dma_semaphore, #tpu.memory_space<semaphore_mem>>) src(%dma_wait3A_797 : memref<100000x128xf32, #tpu.memory_space<hbm>>) dst(%dma_wait3A_787 : memref<20x128xf32, #tpu.memory_space<vmem>>)
        %dma_wait3A_798 = arith.constant 12 : i32
        %dma_wait3A_799 = arith.constant 12 : i32
        %dma_wait3A_800 = arith.constant 0 : i32
        %dma_wait3A_801 = arith.constant 0 : i32
        %dma_wait3A_802 = arith.constant 0 : i32
        %dma_wait3A_803 = tpu.memref_slice %run_scoped3A_8[%rem3A_209, %dma_wait3A_800, %dma_wait3A_801, %dma_wait3A_802] : memref<2x16x20x128xf32, #tpu.memory_space<vmem>> -> memref<1x16x20x128xf32, #tpu.memory_space<vmem>>
        %dma_wait3A_804 = tpu.memref_squeeze %dma_wait3A_803 : memref<1x16x20x128xf32, #tpu.memory_space<vmem>> -> memref<16x20x128xf32, #tpu.memory_space<vmem>>
        %dma_wait3A_805 = arith.constant 0 : i32
        %dma_wait3A_806 = arith.constant 0 : i32
        %dma_wait3A_807 = tpu.memref_slice %dma_wait3A_804[%dma_wait3A_799, %dma_wait3A_805, %dma_wait3A_806] : memref<16x20x128xf32, #tpu.memory_space<vmem>> -> memref<1x20x128xf32, #tpu.memory_space<vmem>>
        %dma_wait3A_808 = tpu.memref_squeeze %dma_wait3A_807 : memref<1x20x128xf32, #tpu.memory_space<vmem>> -> memref<20x128xf32, #tpu.memory_space<vmem>>
        %dma_wait3A_809 = arith.constant 0 : i32
        %dma_wait3A_810 = arith.constant 0 : i32
        %dma_wait3A_811 = tpu.memref_slice %run_scoped3A[%rem3A_207, %dma_wait3A_809, %dma_wait3A_810] : memref<2x16x20xi32, #tpu.memory_space<vmem>> -> memref<1x16x20xi32, #tpu.memory_space<vmem>>
        %dma_wait3A_812 = tpu.memref_squeeze %dma_wait3A_811 : memref<1x16x20xi32, #tpu.memory_space<vmem>> -> memref<16x20xi32, #tpu.memory_space<vmem>>
        %dma_wait3A_813 = arith.constant 0 : i32
        %dma_wait3A_814 = tpu.memref_slice %dma_wait3A_812[%dma_wait3A_798, %dma_wait3A_813] : memref<16x20xi32, #tpu.memory_space<vmem>> -> memref<1x20xi32, #tpu.memory_space<vmem>>
        %dma_wait3A_815 = tpu.memref_squeeze %dma_wait3A_814 : memref<1x20xi32, #tpu.memory_space<vmem>> -> memref<20xi32, #tpu.memory_space<vmem>>
        %dma_wait3A_816 = arith.constant 0 : i32
        %dma_wait3A_817 = arith.constant 0 : i32
        %dma_wait3A_818 = tpu.memref_slice %arg2[%dma_wait3A_816, %dma_wait3A_817] : memref<100000x128xf32, #tpu.memory_space<hbm>> -> memref<100000x128xf32, #tpu.memory_space<hbm>>
        tpu.wait_indirect_dma semaphore(%arg5 : memref<!tpu.dma_semaphore, #tpu.memory_space<semaphore_mem>>) src(%dma_wait3A_818 : memref<100000x128xf32, #tpu.memory_space<hbm>>) dst(%dma_wait3A_808 : memref<20x128xf32, #tpu.memory_space<vmem>>)
        %dma_wait3A_819 = arith.constant 13 : i32
        %dma_wait3A_820 = arith.constant 13 : i32
        %dma_wait3A_821 = arith.constant 0 : i32
        %dma_wait3A_822 = arith.constant 0 : i32
        %dma_wait3A_823 = arith.constant 0 : i32
        %dma_wait3A_824 = tpu.memref_slice %run_scoped3A_8[%rem3A_209, %dma_wait3A_821, %dma_wait3A_822, %dma_wait3A_823] : memref<2x16x20x128xf32, #tpu.memory_space<vmem>> -> memref<1x16x20x128xf32, #tpu.memory_space<vmem>>
        %dma_wait3A_825 = tpu.memref_squeeze %dma_wait3A_824 : memref<1x16x20x128xf32, #tpu.memory_space<vmem>> -> memref<16x20x128xf32, #tpu.memory_space<vmem>>
        %dma_wait3A_826 = arith.constant 0 : i32
        %dma_wait3A_827 = arith.constant 0 : i32
        %dma_wait3A_828 = tpu.memref_slice %dma_wait3A_825[%dma_wait3A_820, %dma_wait3A_826, %dma_wait3A_827] : memref<16x20x128xf32, #tpu.memory_space<vmem>> -> memref<1x20x128xf32, #tpu.memory_space<vmem>>
        %dma_wait3A_829 = tpu.memref_squeeze %dma_wait3A_828 : memref<1x20x128xf32, #tpu.memory_space<vmem>> -> memref<20x128xf32, #tpu.memory_space<vmem>>
        %dma_wait3A_830 = arith.constant 0 : i32
        %dma_wait3A_831 = arith.constant 0 : i32
        %dma_wait3A_832 = tpu.memref_slice %run_scoped3A[%rem3A_207, %dma_wait3A_830, %dma_wait3A_831] : memref<2x16x20xi32, #tpu.memory_space<vmem>> -> memref<1x16x20xi32, #tpu.memory_space<vmem>>
        %dma_wait3A_833 = tpu.memref_squeeze %dma_wait3A_832 : memref<1x16x20xi32, #tpu.memory_space<vmem>> -> memref<16x20xi32, #tpu.memory_space<vmem>>
        %dma_wait3A_834 = arith.constant 0 : i32
        %dma_wait3A_835 = tpu.memref_slice %dma_wait3A_833[%dma_wait3A_819, %dma_wait3A_834] : memref<16x20xi32, #tpu.memory_space<vmem>> -> memref<1x20xi32, #tpu.memory_space<vmem>>
        %dma_wait3A_836 = tpu.memref_squeeze %dma_wait3A_835 : memref<1x20xi32, #tpu.memory_space<vmem>> -> memref<20xi32, #tpu.memory_space<vmem>>
        %dma_wait3A_837 = arith.constant 0 : i32
        %dma_wait3A_838 = arith.constant 0 : i32
        %dma_wait3A_839 = tpu.memref_slice %arg2[%dma_wait3A_837, %dma_wait3A_838] : memref<100000x128xf32, #tpu.memory_space<hbm>> -> memref<100000x128xf32, #tpu.memory_space<hbm>>
        tpu.wait_indirect_dma semaphore(%arg5 : memref<!tpu.dma_semaphore, #tpu.memory_space<semaphore_mem>>) src(%dma_wait3A_839 : memref<100000x128xf32, #tpu.memory_space<hbm>>) dst(%dma_wait3A_829 : memref<20x128xf32, #tpu.memory_space<vmem>>)
        %dma_wait3A_840 = arith.constant 14 : i32
        %dma_wait3A_841 = arith.constant 14 : i32
        %dma_wait3A_842 = arith.constant 0 : i32
        %dma_wait3A_843 = arith.constant 0 : i32
        %dma_wait3A_844 = arith.constant 0 : i32
        %dma_wait3A_845 = tpu.memref_slice %run_scoped3A_8[%rem3A_209, %dma_wait3A_842, %dma_wait3A_843, %dma_wait3A_844] : memref<2x16x20x128xf32, #tpu.memory_space<vmem>> -> memref<1x16x20x128xf32, #tpu.memory_space<vmem>>
        %dma_wait3A_846 = tpu.memref_squeeze %dma_wait3A_845 : memref<1x16x20x128xf32, #tpu.memory_space<vmem>> -> memref<16x20x128xf32, #tpu.memory_space<vmem>>
        %dma_wait3A_847 = arith.constant 0 : i32
        %dma_wait3A_848 = arith.constant 0 : i32
        %dma_wait3A_849 = tpu.memref_slice %dma_wait3A_846[%dma_wait3A_841, %dma_wait3A_847, %dma_wait3A_848] : memref<16x20x128xf32, #tpu.memory_space<vmem>> -> memref<1x20x128xf32, #tpu.memory_space<vmem>>
        %dma_wait3A_850 = tpu.memref_squeeze %dma_wait3A_849 : memref<1x20x128xf32, #tpu.memory_space<vmem>> -> memref<20x128xf32, #tpu.memory_space<vmem>>
        %dma_wait3A_851 = arith.constant 0 : i32
        %dma_wait3A_852 = arith.constant 0 : i32
        %dma_wait3A_853 = tpu.memref_slice %run_scoped3A[%rem3A_207, %dma_wait3A_851, %dma_wait3A_852] : memref<2x16x20xi32, #tpu.memory_space<vmem>> -> memref<1x16x20xi32, #tpu.memory_space<vmem>>
        %dma_wait3A_854 = tpu.memref_squeeze %dma_wait3A_853 : memref<1x16x20xi32, #tpu.memory_space<vmem>> -> memref<16x20xi32, #tpu.memory_space<vmem>>
        %dma_wait3A_855 = arith.constant 0 : i32
        %dma_wait3A_856 = tpu.memref_slice %dma_wait3A_854[%dma_wait3A_840, %dma_wait3A_855] : memref<16x20xi32, #tpu.memory_space<vmem>> -> memref<1x20xi32, #tpu.memory_space<vmem>>
        %dma_wait3A_857 = tpu.memref_squeeze %dma_wait3A_856 : memref<1x20xi32, #tpu.memory_space<vmem>> -> memref<20xi32, #tpu.memory_space<vmem>>
        %dma_wait3A_858 = arith.constant 0 : i32
        %dma_wait3A_859 = arith.constant 0 : i32
        %dma_wait3A_860 = tpu.memref_slice %arg2[%dma_wait3A_858, %dma_wait3A_859] : memref<100000x128xf32, #tpu.memory_space<hbm>> -> memref<100000x128xf32, #tpu.memory_space<hbm>>
        tpu.wait_indirect_dma semaphore(%arg5 : memref<!tpu.dma_semaphore, #tpu.memory_space<semaphore_mem>>) src(%dma_wait3A_860 : memref<100000x128xf32, #tpu.memory_space<hbm>>) dst(%dma_wait3A_850 : memref<20x128xf32, #tpu.memory_space<vmem>>)
        %dma_wait3A_861 = arith.constant 15 : i32
        %dma_wait3A_862 = arith.constant 15 : i32
        %dma_wait3A_863 = arith.constant 0 : i32
        %dma_wait3A_864 = arith.constant 0 : i32
        %dma_wait3A_865 = arith.constant 0 : i32
        %dma_wait3A_866 = tpu.memref_slice %run_scoped3A_8[%rem3A_209, %dma_wait3A_863, %dma_wait3A_864, %dma_wait3A_865] : memref<2x16x20x128xf32, #tpu.memory_space<vmem>> -> memref<1x16x20x128xf32, #tpu.memory_space<vmem>>
        %dma_wait3A_867 = tpu.memref_squeeze %dma_wait3A_866 : memref<1x16x20x128xf32, #tpu.memory_space<vmem>> -> memref<16x20x128xf32, #tpu.memory_space<vmem>>
        %dma_wait3A_868 = arith.constant 0 : i32
        %dma_wait3A_869 = arith.constant 0 : i32
        %dma_wait3A_870 = tpu.memref_slice %dma_wait3A_867[%dma_wait3A_862, %dma_wait3A_868, %dma_wait3A_869] : memref<16x20x128xf32, #tpu.memory_space<vmem>> -> memref<1x20x128xf32, #tpu.memory_space<vmem>>
        %dma_wait3A_871 = tpu.memref_squeeze %dma_wait3A_870 : memref<1x20x128xf32, #tpu.memory_space<vmem>> -> memref<20x128xf32, #tpu.memory_space<vmem>>
        %dma_wait3A_872 = arith.constant 0 : i32
        %dma_wait3A_873 = arith.constant 0 : i32
        %dma_wait3A_874 = tpu.memref_slice %run_scoped3A[%rem3A_207, %dma_wait3A_872, %dma_wait3A_873] : memref<2x16x20xi32, #tpu.memory_space<vmem>> -> memref<1x16x20xi32, #tpu.memory_space<vmem>>
        %dma_wait3A_875 = tpu.memref_squeeze %dma_wait3A_874 : memref<1x16x20xi32, #tpu.memory_space<vmem>> -> memref<16x20xi32, #tpu.memory_space<vmem>>
        %dma_wait3A_876 = arith.constant 0 : i32
        %dma_wait3A_877 = tpu.memref_slice %dma_wait3A_875[%dma_wait3A_861, %dma_wait3A_876] : memref<16x20xi32, #tpu.memory_space<vmem>> -> memref<1x20xi32, #tpu.memory_space<vmem>>
        %dma_wait3A_878 = tpu.memref_squeeze %dma_wait3A_877 : memref<1x20xi32, #tpu.memory_space<vmem>> -> memref<20xi32, #tpu.memory_space<vmem>>
        %dma_wait3A_879 = arith.constant 0 : i32
        %dma_wait3A_880 = arith.constant 0 : i32
        %dma_wait3A_881 = tpu.memref_slice %arg2[%dma_wait3A_879, %dma_wait3A_880] : memref<100000x128xf32, #tpu.memory_space<hbm>> -> memref<100000x128xf32, #tpu.memory_space<hbm>>
        tpu.wait_indirect_dma semaphore(%arg5 : memref<!tpu.dma_semaphore, #tpu.memory_space<semaphore_mem>>) src(%dma_wait3A_881 : memref<100000x128xf32, #tpu.memory_space<hbm>>) dst(%dma_wait3A_871 : memref<20x128xf32, #tpu.memory_space<vmem>>)
        "tpu.trace_stop"() : () -> ()
        %ne3A_882 = arith.cmpi ne, %add3A_135, %add3A_153 : i32
        %or3A_883 = arith.constant false
        %or3A_884 = arith.ori %or3A_883, %ne3A_882 : i1
        %or3A_885 = arith.constant false
        %or3A_886 = arith.ori %or3A_884, %or3A_885 : i1
        %or3A_887 = arith.ori %or3A_886, %eq3A_134 : i1
        %convert_element_type3A_888 = arith.extui %or3A_887 : i1 to i32
        %cond3A_889 = arith.constant 0 : i32
        %cond3A_890 = arith.cmpi ne, %convert_element_type3A_888, %cond3A_889 : i32
        scf.if %cond3A_890 {
        } else {
        }
        %and3A_891 = arith.constant false
        %and3A_892 = arith.andi %or3A_887, %and3A_891 : i1
        %ne3A_893 = arith.cmpi ne, %add3A_135, %add3A_153 : i32
        %or3A_894 = arith.constant false
        %or3A_895 = arith.ori %or3A_894, %ne3A_893 : i1
        %or3A_896 = arith.constant false
        %or3A_897 = arith.ori %or3A_895, %or3A_896 : i1
        %or3A_898 = arith.constant false
        %or3A_899 = arith.ori %or3A_897, %or3A_898 : i1
        %or3A_900 = arith.ori %or3A_899, %eq3A_134 : i1
        %convert_element_type3A_901 = arith.extui %or3A_900 : i1 to i32
        %cond3A_902 = arith.constant 0 : i32
        %cond3A_903 = arith.cmpi ne, %convert_element_type3A_901, %cond3A_902 : i32
        scf.if %cond3A_903 {
          "tpu.trace_start"() <{level = 10 : i32, message = "ep_copy_out"}> : () -> ()
          %rem3A_957 = arith.constant 2 : i32
          %rem3A_958 = arith.remui %scan3A_128, %rem3A_957 : i32
          %mul3A_959 = arith.constant 16 : i32
          %mul3A_960 = arith.muli %mul3A_959, %add3A_135 : i32
          %dma_start3A_961 = arith.constant 0 : i32
          %dma_start3A_962 = arith.constant 0 : i32
          %dma_start3A_963 = arith.constant 0 : i32
          %dma_start3A_964 = tpu.memref_slice %run_scoped3A_8[%rem3A_958, %dma_start3A_961, %dma_start3A_962, %dma_start3A_963] : memref<2x16x20x128xf32, #tpu.memory_space<vmem>> -> memref<1x16x20x128xf32, #tpu.memory_space<vmem>>
          %dma_start3A_965 = tpu.memref_squeeze %dma_start3A_964 : memref<1x16x20x128xf32, #tpu.memory_space<vmem>> -> memref<16x20x128xf32, #tpu.memory_space<vmem>>
          %dma_start3A_966 = arith.constant 0 : i32
          %dma_start3A_967 = arith.constant 0 : i32
          %dma_start3A_968 = tpu.memref_slice %arg4[%mul3A_960, %dma_start3A_966, %dma_start3A_967] : memref<4096x20x128xf32, #tpu.memory_space<hbm>> -> memref<16x20x128xf32, #tpu.memory_space<hbm>>
          %dma_start3A_969 = tpu.memref_slice %run_scoped3A_9[%rem3A_958] : memref<2x!tpu.dma_semaphore, #tpu.memory_space<semaphore_mem>> -> memref<1x!tpu.dma_semaphore, #tpu.memory_space<semaphore_mem>>
          %dma_start3A_970 = tpu.memref_squeeze %dma_start3A_969 : memref<1x!tpu.dma_semaphore, #tpu.memory_space<semaphore_mem>> -> memref<!tpu.dma_semaphore, #tpu.memory_space<semaphore_mem>>
          %dma_start3A_971 = arith.constant 0 : i32
          %dma_start3A_972 = arith.constant 0 : i32
          %dma_start3A_973 = tpu.memref_slice %arg4[%mul3A_960, %dma_start3A_971, %dma_start3A_972] : memref<4096x20x128xf32, #tpu.memory_space<hbm>> -> memref<16x20x128xf32, #tpu.memory_space<hbm>>
          %dma_start3A_974 = arith.constant 0 : i32
          %dma_start3A_975 = arith.constant 0 : i32
          %dma_start3A_976 = arith.constant 0 : i32
          %dma_start3A_977 = tpu.memref_slice %run_scoped3A_8[%rem3A_958, %dma_start3A_974, %dma_start3A_975, %dma_start3A_976] : memref<2x16x20x128xf32, #tpu.memory_space<vmem>> -> memref<1x16x20x128xf32, #tpu.memory_space<vmem>>
          %dma_start3A_978 = tpu.memref_squeeze %dma_start3A_977 : memref<1x16x20x128xf32, #tpu.memory_space<vmem>> -> memref<16x20x128xf32, #tpu.memory_space<vmem>>
          tpu.enqueue_dma source(%dma_start3A_978 : memref<16x20x128xf32, #tpu.memory_space<vmem>>) target(%dma_start3A_973 : memref<16x20x128xf32, #tpu.memory_space<hbm>>) target_semaphore(%dma_start3A_970 : memref<!tpu.dma_semaphore, #tpu.memory_space<semaphore_mem>>)
          "tpu.trace_stop"() : () -> ()
        } else {
        }
        %and3A_904 = arith.constant true
        %and3A_905 = arith.andi %or3A_900, %and3A_904 : i1
        %add3A_906 = arith.constant 1 : i32
        %add3A_907 = arith.addi %scan3A_128, %add3A_906 : i32
        %select_n3A_908 = arith.select %and3A_905, %add3A_907, %scan3A_128 : i32
        %ne3A_909 = arith.cmpi ne, %add3A_135, %add3A_144 : i32
        %or3A_910 = arith.constant false
        %or3A_911 = arith.ori %or3A_910, %ne3A_909 : i1
        %or3A_912 = arith.constant false
        %or3A_913 = arith.ori %or3A_911, %or3A_912 : i1
        %not3A_914 = arith.constant true
        %not3A_915 = arith.xori %eq3A_132, %not3A_914 : i1
        %and3A_916 = arith.andi %or3A_913, %not3A_915 : i1
        %convert_element_type3A_917 = arith.extui %and3A_916 : i1 to i32
        %cond3A_918 = arith.constant 0 : i32
        %cond3A_919 = arith.cmpi ne, %convert_element_type3A_917, %cond3A_918 : i32
        scf.if %cond3A_919 {
        } else {
        }
        %and3A_920 = arith.constant false
        %and3A_921 = arith.andi %and3A_916, %and3A_920 : i1
        %ne3A_922 = arith.cmpi ne, %add3A_135, %add3A_144 : i32
        %or3A_923 = arith.constant false
        %or3A_924 = arith.ori %or3A_923, %ne3A_922 : i1
        %or3A_925 = arith.constant false
        %or3A_926 = arith.ori %or3A_924, %or3A_925 : i1
        %or3A_927 = arith.constant false
        %or3A_928 = arith.ori %or3A_926, %or3A_927 : i1
        %not3A_929 = arith.constant true
        %not3A_930 = arith.xori %eq3A_132, %not3A_929 : i1
        %and3A_931 = arith.andi %or3A_928, %not3A_930 : i1
        %convert_element_type3A_932 = arith.extui %and3A_931 : i1 to i32
        %cond3A_933 = arith.constant 0 : i32
        %cond3A_934 = arith.cmpi ne, %convert_element_type3A_932, %cond3A_933 : i32
        scf.if %cond3A_934 {
          "tpu.trace_start"() <{level = 10 : i32, message = "ep_wait_out"}> : () -> ()
          %rem3A_957 = arith.constant 2 : i32
          %rem3A_958 = arith.remui %scan3A_129, %rem3A_957 : i32
          %mul3A_959 = arith.constant 16 : i32
          %mul3A_960 = arith.muli %mul3A_959, %add3A_144 : i32
          %dma_wait3A_961 = arith.constant 0 : i32
          %dma_wait3A_962 = arith.constant 0 : i32
          %dma_wait3A_963 = arith.constant 0 : i32
          %dma_wait3A_964 = tpu.memref_slice %run_scoped3A_8[%rem3A_958, %dma_wait3A_961, %dma_wait3A_962, %dma_wait3A_963] : memref<2x16x20x128xf32, #tpu.memory_space<vmem>> -> memref<1x16x20x128xf32, #tpu.memory_space<vmem>>
          %dma_wait3A_965 = tpu.memref_squeeze %dma_wait3A_964 : memref<1x16x20x128xf32, #tpu.memory_space<vmem>> -> memref<16x20x128xf32, #tpu.memory_space<vmem>>
          %dma_wait3A_966 = arith.constant 0 : i32
          %dma_wait3A_967 = arith.constant 0 : i32
          %dma_wait3A_968 = tpu.memref_slice %arg4[%mul3A_960, %dma_wait3A_966, %dma_wait3A_967] : memref<4096x20x128xf32, #tpu.memory_space<hbm>> -> memref<16x20x128xf32, #tpu.memory_space<hbm>>
          %dma_wait3A_969 = tpu.memref_slice %run_scoped3A_9[%rem3A_958] : memref<2x!tpu.dma_semaphore, #tpu.memory_space<semaphore_mem>> -> memref<1x!tpu.dma_semaphore, #tpu.memory_space<semaphore_mem>>
          %dma_wait3A_970 = tpu.memref_squeeze %dma_wait3A_969 : memref<1x!tpu.dma_semaphore, #tpu.memory_space<semaphore_mem>> -> memref<!tpu.dma_semaphore, #tpu.memory_space<semaphore_mem>>
          %dma_wait3A_971 = arith.constant 0 : i32
          %dma_wait3A_972 = arith.constant 0 : i32
          %dma_wait3A_973 = tpu.memref_slice %arg4[%mul3A_960, %dma_wait3A_971, %dma_wait3A_972] : memref<4096x20x128xf32, #tpu.memory_space<hbm>> -> memref<16x20x128xf32, #tpu.memory_space<hbm>>
          %dma_wait3A_974 = arith.constant 0 : i32
          %dma_wait3A_975 = arith.constant 0 : i32
          %dma_wait3A_976 = arith.constant 0 : i32
          %dma_wait3A_977 = tpu.memref_slice %run_scoped3A_8[%rem3A_958, %dma_wait3A_974, %dma_wait3A_975, %dma_wait3A_976] : memref<2x16x20x128xf32, #tpu.memory_space<vmem>> -> memref<1x16x20x128xf32, #tpu.memory_space<vmem>>
          %dma_wait3A_978 = tpu.memref_squeeze %dma_wait3A_977 : memref<1x16x20x128xf32, #tpu.memory_space<vmem>> -> memref<16x20x128xf32, #tpu.memory_space<vmem>>
          tpu.wait_dma2 semaphore(%dma_wait3A_970 : memref<!tpu.dma_semaphore, #tpu.memory_space<semaphore_mem>>) src(%dma_wait3A_978 : memref<16x20x128xf32, #tpu.memory_space<vmem>>) dst(%dma_wait3A_973 : memref<16x20x128xf32, #tpu.memory_space<hbm>>)
          "tpu.trace_stop"() : () -> ()
        } else {
        }
        %and3A_935 = arith.constant true
        %and3A_936 = arith.andi %and3A_931, %and3A_935 : i1
        %add3A_937 = arith.constant 1 : i32
        %add3A_938 = arith.addi %scan3A_129, %add3A_937 : i32
        %select_n3A_939 = arith.select %and3A_936, %add3A_938, %scan3A_129 : i32
        %ne3A_940 = arith.cmpi ne, %add3A_135, %add3A_153 : i32
        %or3A_941 = arith.constant false
        %or3A_942 = arith.ori %or3A_941, %ne3A_940 : i1
        %or3A_943 = arith.constant false
        %or3A_944 = arith.ori %or3A_942, %or3A_943 : i1
        %or3A_945 = arith.ori %or3A_944, %eq3A_134 : i1
        %add3A_946 = arith.constant 1 : i32
        %add3A_947 = arith.addi %scan3A_127, %add3A_946 : i32
        %select_n3A_948 = arith.select %or3A_945, %add3A_947, %scan3A_127 : i32
        %add3A_949 = arith.constant 1 : i32
        %add3A_950 = arith.addi %scan3A_130, %add3A_949 : i32
        %select_n3A_951 = arith.constant true
        %select_n3A_952 = arith.select %select_n3A_951, %add3A_950, %scan3A_130 : i32
        %eq3A_953 = arith.constant 8 : i32
        %eq3A_954 = arith.cmpi eq, %select_n3A_952, %eq3A_953 : i32
        %select_n3A_955 = arith.constant 0 : i32
        %select_n3A_956 = arith.select %eq3A_954, %select_n3A_955, %select_n3A_952 : i32
        scf.yield %select_n3A_173, %select_n3A_948, %select_n3A_908, %select_n3A_939, %select_n3A_956 : i32, i32, i32, i32, i32
      }
      %scan3A_68 = arith.constant 8 : i32
      %sub3A = arith.constant 1 : i32
      %sub3A_69 = arith.subi %scan3A_67#4, %sub3A : i32
      %select_n3A_70 = arith.constant true
      %select_n3A_71 = arith.select %select_n3A_70, %sub3A_69, %scan3A_67#4 : i32
      %eq3A_72 = arith.constant -1 : i32
      %eq3A_73 = arith.cmpi eq, %select_n3A_71, %eq3A_72 : i32
      %select_n3A_74 = arith.constant 7 : i32
      %select_n3A_75 = arith.select %eq3A_73, %select_n3A_74, %select_n3A_71 : i32
      %add3A_76 = arith.addi %select_n3A_75, %mul3A_6 : i32
      %sub3A_77 = arith.constant 1 : i32
      %sub3A_78 = arith.subi %select_n3A_75, %sub3A_77 : i32
      %select_n3A_79 = arith.constant true
      %select_n3A_80 = arith.select %select_n3A_79, %sub3A_78, %select_n3A_75 : i32
      %eq3A_81 = arith.constant -1 : i32
      %eq3A_82 = arith.cmpi eq, %select_n3A_80, %eq3A_81 : i32
      %select_n3A_83 = arith.constant 7 : i32
      %select_n3A_84 = arith.select %eq3A_82, %select_n3A_83, %select_n3A_80 : i32
      %add3A_85 = arith.addi %select_n3A_84, %mul3A_6 : i32
      %add3A_86 = arith.constant 1 : i32
      %add3A_87 = arith.addi %select_n3A_75, %add3A_86 : i32
      %select_n3A_88 = arith.constant true
      %select_n3A_89 = arith.select %select_n3A_88, %add3A_87, %select_n3A_75 : i32
      %eq3A_90 = arith.constant 8 : i32
      %eq3A_91 = arith.cmpi eq, %select_n3A_89, %eq3A_90 : i32
      %select_n3A_92 = arith.constant 0 : i32
      %select_n3A_93 = arith.select %eq3A_91, %select_n3A_92, %select_n3A_89 : i32
      %add3A_94 = arith.addi %select_n3A_93, %mul3A_6 : i32
      %add3A_95 = arith.constant 1 : i32
      %add3A_96 = arith.addi %select_n3A_93, %add3A_95 : i32
      %select_n3A_97 = arith.constant true
      %select_n3A_98 = arith.select %select_n3A_97, %add3A_96, %select_n3A_93 : i32
      %eq3A_99 = arith.constant 8 : i32
      %eq3A_100 = arith.cmpi eq, %select_n3A_98, %eq3A_99 : i32
      %select_n3A_101 = arith.constant 0 : i32
      %select_n3A_102 = arith.select %eq3A_100, %select_n3A_101, %select_n3A_98 : i32
      %add3A_103 = arith.addi %select_n3A_102, %mul3A_6 : i32
      "tpu.trace_start"() <{level = 10 : i32, message = "ep_finalize"}> : () -> ()
      %rem3A_104 = arith.constant 2 : i32
      %rem3A_105 = arith.remui %scan3A_67#3, %rem3A_104 : i32
      %mul3A_106 = arith.constant 16 : i32
      %mul3A_107 = arith.muli %mul3A_106, %add3A_76 : i32
      %dma_wait3A = arith.constant 0 : i32
      %dma_wait3A_108 = arith.constant 0 : i32
      %dma_wait3A_109 = arith.constant 0 : i32
      %dma_wait3A_110 = tpu.memref_slice %run_scoped3A_8[%rem3A_105, %dma_wait3A, %dma_wait3A_108, %dma_wait3A_109] : memref<2x16x20x128xf32, #tpu.memory_space<vmem>> -> memref<1x16x20x128xf32, #tpu.memory_space<vmem>>
      %dma_wait3A_111 = tpu.memref_squeeze %dma_wait3A_110 : memref<1x16x20x128xf32, #tpu.memory_space<vmem>> -> memref<16x20x128xf32, #tpu.memory_space<vmem>>
      %dma_wait3A_112 = arith.constant 0 : i32
      %dma_wait3A_113 = arith.constant 0 : i32
      %dma_wait3A_114 = tpu.memref_slice %arg4[%mul3A_107, %dma_wait3A_112, %dma_wait3A_113] : memref<4096x20x128xf32, #tpu.memory_space<hbm>> -> memref<16x20x128xf32, #tpu.memory_space<hbm>>
      %dma_wait3A_115 = tpu.memref_slice %run_scoped3A_9[%rem3A_105] : memref<2x!tpu.dma_semaphore, #tpu.memory_space<semaphore_mem>> -> memref<1x!tpu.dma_semaphore, #tpu.memory_space<semaphore_mem>>
      %dma_wait3A_116 = tpu.memref_squeeze %dma_wait3A_115 : memref<1x!tpu.dma_semaphore, #tpu.memory_space<semaphore_mem>> -> memref<!tpu.dma_semaphore, #tpu.memory_space<semaphore_mem>>
      %dma_wait3A_117 = arith.constant 0 : i32
      %dma_wait3A_118 = arith.constant 0 : i32
      %dma_wait3A_119 = tpu.memref_slice %arg4[%mul3A_107, %dma_wait3A_117, %dma_wait3A_118] : memref<4096x20x128xf32, #tpu.memory_space<hbm>> -> memref<16x20x128xf32, #tpu.memory_space<hbm>>
      %dma_wait3A_120 = arith.constant 0 : i32
      %dma_wait3A_121 = arith.constant 0 : i32
      %dma_wait3A_122 = arith.constant 0 : i32
      %dma_wait3A_123 = tpu.memref_slice %run_scoped3A_8[%rem3A_105, %dma_wait3A_120, %dma_wait3A_121, %dma_wait3A_122] : memref<2x16x20x128xf32, #tpu.memory_space<vmem>> -> memref<1x16x20x128xf32, #tpu.memory_space<vmem>>
      %dma_wait3A_124 = tpu.memref_squeeze %dma_wait3A_123 : memref<1x16x20x128xf32, #tpu.memory_space<vmem>> -> memref<16x20x128xf32, #tpu.memory_space<vmem>>
      tpu.wait_dma2 semaphore(%dma_wait3A_116 : memref<!tpu.dma_semaphore, #tpu.memory_space<semaphore_mem>>) src(%dma_wait3A_124 : memref<16x20x128xf32, #tpu.memory_space<vmem>>) dst(%dma_wait3A_119 : memref<16x20x128xf32, #tpu.memory_space<hbm>>)
      "tpu.trace_stop"() : () -> ()
      tpu.yield
    }) : () -> ()
    return
  }
}

module attributes {stable_mosaic.version = 14 : i64} {
  func.func @_proj_body(%arg0: i32, %arg1: memref<10000x256xf32, #tpu.memory_space<vmem>>, %arg2: memref<256x128xf32, #tpu.memory_space<vmem>>, %arg3: memref<1x128xf32, #tpu.memory_space<vmem>>, %arg4: memref<10000x128xf32, #tpu.memory_space<vmem>>) attributes {dimension_semantics = [#tpu.dimension_semantics<arbitrary>], iteration_bounds = array<i64: 10>, scalar_prefetch = 0 : i64, scratch_operands = 0 : i64, tpu.core_type = #tpu.core_type<tc>, window_params = [{transform_indices = @transform_0, window_bounds = array<i64: 10000, 256>}, {pipeline_mode = #tpu.pipeline_mode<synchronous>, transform_indices = @transform_1, window_bounds = array<i64: 256, 128>}, {pipeline_mode = #tpu.pipeline_mode<synchronous>, transform_indices = @transform_2, window_bounds = array<i64: 1, 128>}, {transform_indices = @transform_3, window_bounds = array<i64: 10000, 128>}]} {
    %get3A = arith.constant 0 : index
    %get3A_0 = arith.constant 0 : index
    %get3A_1 = vector.load %arg1[%get3A, %get3A_0] : memref<10000x256xf32, #tpu.memory_space<vmem>>, vector<10000x256xf32>
    %get3A_2 = arith.constant 0 : index
    %get3A_3 = arith.constant 0 : index
    %get3A_4 = vector.load %arg2[%get3A_2, %get3A_3] : memref<256x128xf32, #tpu.memory_space<vmem>>, vector<256x128xf32>
    %dot_general3A = arith.constant dense<0.000000e+00> : vector<10000x128xf32>
    %dot_general3A_5 = tpu.matmul %get3A_1, %get3A_4, %dot_general3A {dimension_numbers = #tpu.dot_dimension_numbers<[1], [0], [0], [1], [0, 0, 1, 1], [], []>, transpose_lhs_hint = false} : vector<10000x256xf32>, vector<256x128xf32>, vector<10000x128xf32> -> vector<10000x128xf32>
    %get3A_6 = arith.constant 0 : index
    %get3A_7 = arith.constant 0 : index
    %get3A_8 = vector.load %arg3[%get3A_6, %get3A_7] : memref<1x128xf32, #tpu.memory_space<vmem>>, vector<1x128xf32>
    %add3A = vector.broadcast %get3A_8 : vector<1x128xf32> to vector<10000x128xf32>
    %add3A_9 = arith.addf %dot_general3A_5, %add3A : vector<10000x128xf32>
    %swap3A = arith.constant 0 : index
    %swap3A_10 = arith.constant 0 : index
    %swap3A_11 = vector.load %arg4[%swap3A, %swap3A_10] : memref<10000x128xf32, #tpu.memory_space<vmem>>, vector<10000x128xf32>
    tpu.vector_store %arg4[%swap3A, %swap3A_10], %add3A_9 {strides = array<i32>} : memref<10000x128xf32, #tpu.memory_space<vmem>>, vector<10000x128xf32>,
    return
  }
  func.func @transform_0(%arg0: i32) -> (i32, i32) {
    %c0_i32 = arith.constant 0 : i32
    %c0_i32_0 = arith.constant 0 : i32
    return %arg0, %c0_i32 : i32, i32
  }
  func.func @transform_1(%arg0: i32) -> (i32, i32) {
    %c0_i32 = arith.constant 0 : i32
    %c0_i32_0 = arith.constant 0 : i32
    %c0_i32_1 = arith.constant 0 : i32
    return %c0_i32, %c0_i32_0 : i32, i32
  }
  func.func @transform_2(%arg0: i32) -> (i32, i32) {
    %c0_i32 = arith.constant 0 : i32
    %c0_i32_0 = arith.constant 0 : i32
    %c0_i32_1 = arith.constant 0 : i32
    return %c0_i32, %c0_i32_0 : i32, i32
  }
  func.func @transform_3(%arg0: i32) -> (i32, i32) {
    %c0_i32 = arith.constant 0 : i32
    %c0_i32_0 = arith.constant 0 : i32
    return %arg0, %c0_i32 : i32, i32
  }
}

</mosaic_0001>

<sc_bundles>
// kernel: kernel.4.cloned.1.call-start
scs
__scs_entry_jumppad:
0x0: {  	(pc) =	sbr.rel $0x88, $3  }
0x1: {  	(tag) =	ssettag $0x0;
	lr =	simm.s32 $0x1  }
0x2: {  	[smem:$0x3F9D] =	sst lr;
	_ =	strace $0xD0000000  }
0x3: {  	_ = 	snop  }
0x4: {  	_ = 	snop  }
0x5: {  	_ = 	snop  }
0x6: {  	_ = 	snop  }
0x7: {  	_ = 	snop  }
__scs_overlays_trampoline_lowered:
0x8: {  	[smem:$0x3FAC] =	sst s0  }
0x9: {  	[smem:$0x3FAD] =	sst s1  }
0xa: {  	[smem:$0x3FAE] =	sst s2  }
0xb: {  	[smem:$0x3FAF] =	sst s3  }
0xc: {  	[smem:$0x3FB0] =	sst s4  }
0xd: {  	[smem:$0x3FB1] =	sst s5  }
0xe: {  	[smem:$0x3FB2] =	sst s6  }
0xf: {  	[smem:$0x3FB3] =	sst s7  }
0x10: {  	[smem:$0x3FB4] =	sst s8  }
0x11: {  	[smem:$0x3FB5] =	sst s9;
	s0 =	simm.s32 @!p0 $0x0  }
0x12: {  	s1 =	sld [smem:$0x3F9B];
	s0 =	simm.s32 @p0 $0x1  }
0x13: {  	[smem:$0x3FB6] =	sst s0;
	s0 =	simm.s32 @!p1 $0x0  }
0x14: {  	s2 =	sld [smem:$0x3F9A];
	s0 =	simm.s32 @p1 $0x1  }
0x15: {  	[smem:$0x3FB7] =	sst s0;
	s0 =	simm.s32 @!p2 $0x0  }
0x16: {  	s3 =	sld [smem:$0x3FDB];
	s0 =	simm.s32 @p2 $0x1  }
0x17: {  	s4 =	simm.s32 $0x1BF5;
	[smem:$0x3FB9] =	sst s0  }
0x18: {  	s0 =	sld [smem:$0x3F9C];
	_ =	swait.ge [sflag:s4], $0x0  }
0x19: {  	s7 =	sld [smem:$0x3F9D]  }
0x1a: {  	s8 =	sadd.s32 $0xFFFFE003, lr  }
0x1b: {  	s9 =	sadd.s32 $0xFFFFFEF7, lr;
	s5 =	simm.s32 $0xFFFFFFFF;
	p2 =	slt.u32 s8, $0xFFFFF086  }
0x1c: {  	p1 =	slt.u32 s9, $0xF7A;
	s5 =	simm.s32 @!p2 $0x0  }
0x1d: {  	s5 =	simm.s32 @p1 $0x1;
	p0 =	seq.s32 s7, s2  }
0x1e: {  	s7 =	smul.u32 @!p0 $0xF7A, s2;
	p2 =	seq.s32 @!p0 s5, $0x0  }
0x1f: {  	s9 =	smul.u32 $0xF7A, s1;
	s8 =	simm.s32 @!p0 $0x1BF5;
	p2 =	por !p2, p0  }
0x20: {  	[sflag:s8] =	ssyncset.s32 @!p0 $0xFFFFF086;
	s6 =	sadd.s32 @!p0 s3, s7;
	s7 =	simm.s32 @!p0 $0x108  }
0x21: {  	s3 =	sadd.s32 s3, s9;
	s6 =	sadd.s32 @!p0 $0x88, s6;
	s7 =	simm.s32 @p2 $0x1082  }
0x22: {  	[simem:s7], [sflag:s8] =	dma.local @!p0 [hbm:s6], $0xF7A  }
0x23: {  	s9 =	sor.u32 $0xD0000000, s2;
	s6 =	simm.s32 $0x108;
	_ =	swait.ge @!p0 [sflag:s8], $0x0  }
0x24: {  	s3 =	sadd.s32 $0x88, s3;
	s6 =	simm.s32 @!p1 $0x1082;
	[sflag:s4] =	ssyncset.s32 $0xFFFFF086  }
0x25: {  	[simem:s6], [sflag:s4] =	dma.local [hbm:s3], $0xF7A  }
0x26: {  	[smem:$0x3F9D] =	sst s1;
	(tag) =	ssettag s2;
	_ =	strace s9  }
0x27: {  	s1 =	sld [smem:$0x3FAD]  }
0x28: {  	s2 =	sld [smem:$0x3FAE]  }
0x29: {  	s4 =	sld [smem:$0x3FB0]  }
0x2a: {  	p0 =	seq.s32 s5, $0x0;
	s5 =	sld [smem:$0x3FB1]  }
0x2b: {  	s6 =	sld [smem:$0x3FB2]  }
0x2c: {  	s7 =	sld [smem:$0x3FB3]  }
0x2d: {  	s3 =	simm.s32 $0x108;
	s8 =	sld [smem:$0x3FB4]  }
0x2e: {  	s3 =	simm.s32 @!p0 $0x1082;
	s9 =	sld [smem:$0x3FB5]  }
0x2f: {  	lr =	sadd.s32 s0, s3;
	s0 =	sld [smem:$0x3FAC]  }
0x30: {  	s3 =	sld [smem:$0x3FAF]  }
0x31: {  	[smem:$0x3FB8] =	sst s10  }
0x32: {  	s10 =	sld [smem:$0x3FB6];
	_ =	sdelay $0x3  }
0x33: {  	p0 =	seq.s32 s10, $0x1;
	s10 =	sld [smem:$0x3FB8];
	_ =	sdelay $0x3  }
0x34: {  	[smem:$0x3FB8] =	sst s10  }
0x35: {  	s10 =	sld [smem:$0x3FB7];
	_ =	sdelay $0x3  }
0x36: {  	p1 =	seq.s32 s10, $0x1;
	s10 =	sld [smem:$0x3FB8];
	_ =	sdelay $0x3  }
0x37: {  	[smem:$0x3FB8] =	sst s10  }
0x38: {  	s10 =	sld [smem:$0x3FB9]  }
0x39: {  	_ = 	snop;
	(pc) =	sbr.ind lr, $3  }
0x3a: {  	_ = 	snop  }
0x3b: {  	_ = 	snop  }
0x3c: {  	p2 =	seq.s32 s10, $0x1;
	s10 =	sld [smem:$0x3FB8]  }
0x3d: {  	_ =	shalt  }
0x3e: {  	_ =	shalt  }
0x3f: {  	_ =	shalt  }
0x40: {  	_ =	shalt  }
0x41: {  	_ =	shalt  }
0x42: {  	_ =	shalt  }
0x43: {  	_ =	shalt  }
0x44: {  	_ =	shalt  }
0x45: {  	_ =	shalt  }
0x46: {  	_ =	shalt  }
0x47: {  	_ =	shalt  }
0x48: {  	_ =	shalt  }
0x49: {  	_ =	shalt  }
0x4a: {  	_ =	shalt  }
0x4b: {  	_ =	shalt  }
0x4c: {  	_ =	shalt  }
0x4d: {  	_ =	shalt  }
0x4e: {  	_ =	shalt  }
0x4f: {  	_ =	shalt  }
0x50: {  	_ =	shalt  }
0x51: {  	_ =	shalt  }
0x52: {  	_ =	shalt  }
0x53: {  	_ =	shalt  }
0x54: {  	_ =	shalt  }
0x55: {  	_ =	shalt  }
0x56: {  	_ =	shalt  }
0x57: {  	_ =	shalt  }
0x58: {  	_ =	shalt  }
0x59: {  	_ =	shalt  }
0x5a: {  	_ =	shalt  }
0x5b: {  	_ =	shalt  }
0x5c: {  	_ =	shalt  }
0x5d: {  	_ =	shalt  }
0x5e: {  	_ =	shalt  }
0x5f: {  	_ =	shalt  }
0x60: {  	_ =	shalt  }
0x61: {  	_ =	shalt  }
0x62: {  	_ =	shalt  }
0x63: {  	_ =	shalt  }
0x64: {  	_ =	shalt  }
0x65: {  	_ =	shalt  }
0x66: {  	_ =	shalt  }
0x67: {  	_ =	shalt  }
0x68: {  	_ =	shalt  }
0x69: {  	_ =	shalt  }
0x6a: {  	_ =	shalt  }
0x6b: {  	_ =	shalt  }
0x6c: {  	_ =	shalt  }
0x6d: {  	_ =	shalt  }
0x6e: {  	_ =	shalt  }
0x6f: {  	_ =	shalt  }
0x70: {  	_ =	shalt  }
0x71: {  	_ =	shalt  }
0x72: {  	_ =	shalt  }
0x73: {  	_ =	shalt  }
0x74: {  	_ =	shalt  }
0x75: {  	_ =	shalt  }
0x76: {  	_ =	shalt  }
0x77: {  	_ =	shalt  }
0x78: {  	_ =	shalt  }
0x79: {  	_ =	shalt  }
0x7a: {  	_ =	shalt  }
0x7b: {  	_ =	shalt  }
0x7c: {  	_ =	shalt  }
0x7d: {  	_ =	shalt  }
0x7e: {  	_ =	shalt  }
0x7f: {  	_ =	shalt  }
0x80: {  	_ =	shalt  }
0x81: {  	_ =	shalt  }
0x82: {  	_ =	shalt  }
0x83: {  	_ =	shalt  }
0x84: {  	_ =	shalt  }
0x85: {  	_ =	shalt  }
0x86: {  	_ =	shalt  }
0x87: {  	_ =	shalt  }
.Lfunc_end0:
.L_simem_size_0:
called_computation_lowered:
.L_overlay_start_0:
0x88: {  	s2 =	sld [smem:$0x3FD9]  }
0x89: {  	s3 =	sld [smem:$0x3FFE];
	_ =	sdelay $0x1  }
0x8a: {  	s1 =	srdreg.scid  }
0x8b: {  	s0 =	sand.u32 $0x1, s1  }
0x8c: {  	s17 =	sshll.u32 s0, $0xA;
	s2 =	sadd.s32 s3, s2  }
0x8d: {  	s2 =	sadd.s32 s2, s17  }
0x8e: {  	[smem:$0x3FC4] =	sst s2  }
0x8f: {  	_ = 	snop  }
0x90: {  	s2 =	sld [smem:$0x3FD0];
	(tm) =	ssettm $0x1  }
0x91: {  	s18 =	sld [smem:$0x3FFB];
	_ =	sdelay $0x3  }
0x92: {  	_ =	strace s18  }
0x93: {  	s3 =	sld [smem:$0x3FFC];
	_ =	sdelay $0x3  }
0x94: {  	_ =	strace s3  }
0x95: {  	s3 =	sld [smem:$0x3FFD];
	_ =	sdelay $0x3  }
0x96: {  	_ =	strace s3  }
0x97: {  	_ =	strace $0x8FFFFFFF  }
0x98: {  	s19 =	sld [smem:$0x3FDB];
	_ =	sdelay $0x1  }
0x99: {  	s4 =	simm.s32 $_scs_section_size  }
0x9a: {  	s5 =	simm.s32 $_size__tile_overlayer_lowered;
	s6 =	simm.s32 $_tile_overlayer_lowered  }
0x9b: {  	s22 =	simm.s32 $0x1BFF;
	s21 =	sshll.u32 s6, $0x1;
	s3 =	sadd.s32 s4, s19  }
0x9c: {  	s7 =	simm.s32 $0x0;
	s20 =	sshll.u32 s5, $0x1;
	s5 =	sadd.s32 s21, s3  }
0x9d: {  	[timem:s7], [sflag:s22] =	dma.local [hbm:s5], s20  }
0x9e: {  	_ =	swait.ge [sflag:s22], s20  }
0x9f: {  	s4 =	ssub.s32 $0x0, s20;
	[sflag:s22] =	ssyncset.done $0x0  }
0xa0: {  	[sflag:s22] =	ssyncadd.s32 s4;
	_ =	sdelay $0x1  }
0xa1: {  	s23 =	simm.s32 $0x1B8B  }
0xa2: {  	_ =	swait.ge [sflag:s23], $0x1  }
0xa3: {  	[sflag:s23] =	ssyncset.done $0x0  }
0xa4: {  	s25 =	simm.s32 $0x1B8E;
	s24 =	sld [smem:$0x3FFE];
	[sflag:s23] =	ssyncadd.s32 $0xFFFFFFFF  }
0xa5: {  	s26 =	simm.s32 $execute0_lowered;
	[smem:$0x3FD2] =	sst s25  }
0xa6: {  	s5 =	sshll.u32 s26, $0x1;
	_ =	strace $0x80000046;
	[dreg:$0x1] =	wrdreg $0xFFFFFFFF  }
0xa7: {  	s28 =	simm.s32 $_size_execute0_lowered;
	s3 =	sadd.s32 s3, s5;
	[dreg:$0x0] =	wrdreg $0x0  }
0xa8: {  	s5 =	sshll.u32 s28, $0x1;
	[dreg:$0x2] =	wrdreg s3  }
0xa9: {  	[dreg:$0x3] =	wrdreg s5  }
0xaa: {  	[dreg:$0x4] =	wrdreg $0xC0  }
0xab: {  	_ =	task [dreg:s7], $0x5FFFF  }
0xac: {  	[dreg:$0x1] =	wrdreg $0xFFFFFFFF  }
0xad: {  	[dreg:$0x0] =	wrdreg $0x60  }
0xae: {  	[dreg:$0x2] =	wrdreg s24  }
0xaf: {  	[dreg:$0x3] =	wrdreg s2  }
0xb0: {  	[dreg:$0x4] =	wrdreg $0x9  }
0xb1: {  	_ =	task.clear_ibuf [dreg:s7], $0x5FFFF;
	_ =	strace $0x90000046  }
0xb2: {  	s29 =	simm.s32 $0x9;
	_ =	strace $0x8000004F  }
0xb3: {  	_ =	swait.ge [sflag:s29], $0x1  }
0xb4: {  	[sflag:s29] =	ssyncadd.s32 $0xFFFFFFFF  }
0xb5: {  	_ =	strace $0x9000004F  }
0xb6: {  	_ =	sfence  }
0xb7: {  	s30 =	sld [smem:$0x0];
	_ =	sdelay $0x2  }
0xb8: {  	s31 =	sshll.u32 s1, $0xD;
	s1 =	sshrl.u32 s1, $0x2  }
0xb9: {  	s3 =	sand.u32 $0x4000, s31;
	s1 =	sadd.s32 s1, s30  }
0xba: {  	s0 =	sor.u32 s3, s0;
	s1 =	sshll.u32 s1, $0x11  }
0xbb: {  	s0 =	sor.u32 s1, s0  }
0xbc: {  	s0 =	sadd.s32 $0x8F2B, s0  }
0xbd: {  	[sflag:s0] =	ssyncadd.remote.s32 $0x1  }
0xbe: {  	_ =	sfence.sel $0xFFFF  }
0xbf: {  	[dreg:$0x0] =	wrdreg $0xFFFFFFFF;
	(pc) =	sbr.abs _section_cstart, $3  }
0xc0: {  	[dreg:$0x1] =	wrdreg $0xFFFFFFFF  }
0xc1: {  	_ =	task.clear_ibuf [dreg:s7], $0x2FFFF;
	_ =	strace $0x9FFFFFFF  }
0xc2: {  	(tm) =	ssettm $0x7FFFFFFF  }
0xc3: {  	_ =	shalt  }
tec
execute0_lowered:
.L_overlay_start_1:
0x0: {  	(tag) =	ssettag $0x1  }
0x1: {  	s3 =	rddreg [dreg:$0x0]  }
0x2: {  	s1 =	rddreg [dreg:$0x1];
	s2 =	simm.s32 $0x0  }
0x3: {  	s5 =	srdreg.scid;
	s9 =	simm.s32 $0x14;
	s10 =	simm.s32 $0x5  }
0x4: {  	s11 =	simm.s32 $0x0;
	[smem:$0x7FF] =	sst s2;
	s4 =	sadd.s32 $0x800, s3  }
0x5: {  	s6 =	sadd.s32 $0x187200, s3;
	s5 =	sand.u32 $0x1, s5;
	s3 =	stileid.u32  }
0x6: {  	_ =	strace $0x80000047;
	s7 =	ssub.s32 $0x2, s5;
	s5 =	sshll.u32 s5, $0x4  }
0x7: {  	[dreg:$0x3] =	wrdreg s6;
	s30 =	sshrl.u32 s7, $0x1;
	s8 =	sor.u32 s3, s5  }
0x8: {  	s7 =	ssub.s32 s7, s30;
	s5 =	sshll.u32 s8, $0x3;
	s31 =	sshll.u32 s8, $0xB  }
0x9: {  	s8 =	simm.s32 $0x1;
	s6 =	sadd.s32 s1, s31;
	s7 =	smax.u32 s7, $0x1  }
.LBB2_1:
0xa: {  	_ =	strace $0x80000048;
	s12 =	simm.s32 $0x1;
	p0 =	por $0x0, $0x0  }
0xb: {  	[tilespmem:s2], [sflag:$0x2] =	stream.linear.gather [hbm4b:s6+s2], $0x800, $0x200038;
	[tilespmem:$0x15000] =	vst v63  }
0xc: {  	s12 =	simm.s32 @p0 $0x0  }
0xd: {  	p1 =	por $0x1, $0x1;
	p0 =	sne.s32 s12, $0x0  }
0xe: {  	p1 =	por !p1, !p0  }
0xf: {  	p2 =	por !p1, !p1  }
0x10: {  	s13 =	sadd.s32 @p2 s5, s12  }
0x11: {  	_ =	strace $0x90000048;
	s14 =	sand.u32 @p2 $0x1, s8;
	s13 =	sshll.u32 @p2 s13, $0x8  }
0x12: {  	s15 =	simm.s32 @p2 $0x0;
	_ =	strace @p2 $0x80000049;
	s13 =	sand.u32 @p2 $0x1FFFFF00, s13  }
0x13: {  	s16 =	sshll.u32 @p2 s14, $0xB;
	s14 =	sor.u32 @p2 $0x2, s14;
	s13 =	sadd.s32 @p2 s1, s13  }
0x14: {  	[tilespmem:s16], [sflag:s14] =	stream.linear.gather @p2 [hbm4b:s13+s15], $0x800, $0x200038;
	[tilespmem:$0x15000] =	vst v63  }
0x15: {  	s15 =	sand.u32 $0x1, s2;
	_ =	strace @p2 $0x90000049  }
0x16: {  	s26 =	sor.u32 $0x2, s15;
	_ =	strace $0x8000004A  }
0x17: {  	_ =	swait.ge [sflag:s26], $0x800  }
0x18: {  	s29 =	smul.u32 $0x28000, s15;
	[sflag:s26] =	ssyncset.done $0x0  }
0x19: {  	[sflag:s26] =	ssyncadd.s32 $0xFFFFF800  }
0x1a: {  	s30 =	simm.s32 $0x0;
	s14 =	sshrl.u32 s29, $0x2;
	_ =	strace $0x9000004A  }
0x1b: {  	s13 =	sand.u32 $0x800, s30;
	s16 =	sor.u32 $0x1000, s14;
	_ =	strace $0x8000004B  }
0x1c: {  	[tilespmem:s16], [sflag:$0x1] =	stream.indirect.gather [hbm4b:s4+s9], $0x80, s13, s9, $0x2000b8;
	[tilespmem:$0x15000] =	vst v63  }
0x1d: {  	s18 =	sor.u32 $0x80, s13;
	s17 =	sor.u32 $0x1A00, s14  }
0x1e: {  	[tilespmem:s17], [sflag:$0x1] =	stream.indirect.gather [hbm4b:s4+s9], $0x80, s18, s9, $0x2000b8;
	[tilespmem:$0x15000] =	vst v63  }
0x1f: {  	s0 =	sor.u32 $0x100, s13;
	s31 =	sadd.s32 $0x2400, s14  }
0x20: {  	[tilespmem:s31], [sflag:$0x1] =	stream.indirect.gather [hbm4b:s4+s9], $0x80, s0, s9, $0x2000b8;
	[tilespmem:$0x15000] =	vst v63  }
0x21: {  	s20 =	sor.u32 $0x180, s13;
	s19 =	sadd.s32 $0x2E00, s14  }
0x22: {  	[tilespmem:s19], [sflag:$0x1] =	stream.indirect.gather [hbm4b:s4+s9], $0x80, s20, s9, $0x2000b8;
	[tilespmem:$0x15000] =	vst v63  }
0x23: {  	s22 =	sor.u32 $0x200, s13;
	s21 =	sadd.s32 $0x3800, s14  }
0x24: {  	[tilespmem:s21], [sflag:$0x1] =	stream.indirect.gather [hbm4b:s4+s9], $0x80, s22, s9, $0x2000b8;
	[tilespmem:$0x15000] =	vst v63  }
0x25: {  	s24 =	sor.u32 $0x280, s13;
	s23 =	sadd.s32 $0x4200, s14  }
0x26: {  	[tilespmem:s23], [sflag:$0x1] =	stream.indirect.gather [hbm4b:s4+s9], $0x80, s24, s9, $0x2000b8;
	[tilespmem:$0x15000] =	vst v63  }
0x27: {  	s25 =	sadd.s32 $0x4C00, s14;
	s26 =	sor.u32 $0x300, s13  }
0x28: {  	[tilespmem:s25], [sflag:$0x1] =	stream.indirect.gather [hbm4b:s4+s9], $0x80, s26, s9, $0x2000b8;
	[tilespmem:$0x15000] =	vst v63  }
0x29: {  	s30 =	sor.u32 $0x380, s13;
	s29 =	sadd.s32 $0x5600, s14  }
0x2a: {  	[tilespmem:s29], [sflag:$0x1] =	stream.indirect.gather [hbm4b:s4+s9], $0x80, s30, s9, $0x2000b8;
	[tilespmem:$0x15000] =	vst v63  }
0x2b: {  	s31 =	sadd.s32 $0x6000, s14;
	s0 =	sor.u32 $0x400, s13  }
0x2c: {  	[tilespmem:s31], [sflag:$0x1] =	stream.indirect.gather [hbm4b:s4+s9], $0x80, s0, s9, $0x2000b8;
	[tilespmem:$0x15000] =	vst v63  }
0x2d: {  	s18 =	sadd.s32 $0x6A00, s14;
	s19 =	sor.u32 $0x480, s13  }
0x2e: {  	[tilespmem:s18], [sflag:$0x1] =	stream.indirect.gather [hbm4b:s4+s9], $0x80, s19, s9, $0x2000b8;
	[tilespmem:$0x15000] =	vst v63  }
0x2f: {  	s20 =	sadd.s32 $0x7400, s14;
	s21 =	sor.u32 $0x500, s13  }
0x30: {  	[tilespmem:s20], [sflag:$0x1] =	stream.indirect.gather [hbm4b:s4+s9], $0x80, s21, s9, $0x2000b8;
	[tilespmem:$0x15000] =	vst v63  }
0x31: {  	s22 =	sadd.s32 $0x7E00, s14;
	s23 =	sor.u32 $0x580, s13  }
0x32: {  	[tilespmem:s22], [sflag:$0x1] =	stream.indirect.gather [hbm4b:s4+s9], $0x80, s23, s9, $0x2000b8;
	[tilespmem:$0x15000] =	vst v63  }
0x33: {  	s24 =	sadd.s32 $0x8800, s14;
	s25 =	sor.u32 $0x600, s13  }
0x34: {  	[tilespmem:s24], [sflag:$0x1] =	stream.indirect.gather [hbm4b:s4+s9], $0x80, s25, s9, $0x2000b8;
	[tilespmem:$0x15000] =	vst v63  }
0x35: {  	s26 =	sadd.s32 $0x9200, s14;
	s29 =	sor.u32 $0x680, s13  }
0x36: {  	[tilespmem:s26], [sflag:$0x1] =	stream.indirect.gather [hbm4b:s4+s9], $0x80, s29, s9, $0x2000b8;
	[tilespmem:$0x15000] =	vst v63  }
0x37: {  	s30 =	sadd.s32 $0x9C00, s14;
	s31 =	sor.u32 $0x700, s13  }
0x38: {  	[tilespmem:s30], [sflag:$0x1] =	stream.indirect.gather [hbm4b:s4+s9], $0x80, s31, s9, $0x2000b8;
	[tilespmem:$0x15000] =	vst v63  }
0x39: {  	s14 =	sadd.s32 $0xA600, s14;
	s13 =	sor.u32 $0x780, s13  }
0x3a: {  	[tilespmem:s14], [sflag:$0x1] =	stream.indirect.gather [hbm4b:s4+s9], $0x80, s13, s9, $0x2000b8;
	[tilespmem:$0x15000] =	vst v63  }
0x3b: {  	_ =	swait.ge [sflag:s8], $0xA00  }
0x3c: {  	[sflag:s8] =	ssyncset.done $0x0  }
0x3d: {  	[sflag:s8] =	ssyncadd.s32 $0xFFFFF600  }
0x3e: {  	_ =	swait.ge [sflag:s8], $0xA00  }
0x3f: {  	[sflag:s8] =	ssyncset.done $0x0  }
0x40: {  	[sflag:s8] =	ssyncadd.s32 $0xFFFFF600  }
0x41: {  	_ =	swait.ge [sflag:s8], $0xA00  }
0x42: {  	[sflag:s8] =	ssyncset.done $0x0  }
0x43: {  	[sflag:s8] =	ssyncadd.s32 $0xFFFFF600  }
0x44: {  	_ =	swait.ge [sflag:s8], $0xA00  }
0x45: {  	[sflag:s8] =	ssyncset.done $0x0  }
0x46: {  	[sflag:s8] =	ssyncadd.s32 $0xFFFFF600  }
0x47: {  	_ =	swait.ge [sflag:s8], $0xA00  }
0x48: {  	[sflag:s8] =	ssyncset.done $0x0  }
0x49: {  	[sflag:s8] =	ssyncadd.s32 $0xFFFFF600  }
0x4a: {  	_ =	swait.ge [sflag:s8], $0xA00  }
0x4b: {  	[sflag:s8] =	ssyncset.done $0x0  }
0x4c: {  	[sflag:s8] =	ssyncadd.s32 $0xFFFFF600  }
0x4d: {  	_ =	swait.ge [sflag:s8], $0xA00  }
0x4e: {  	[sflag:s8] =	ssyncset.done $0x0  }
0x4f: {  	[sflag:s8] =	ssyncadd.s32 $0xFFFFF600  }
0x50: {  	_ =	swait.ge [sflag:s8], $0xA00  }
0x51: {  	[sflag:s8] =	ssyncset.done $0x0  }
0x52: {  	[sflag:s8] =	ssyncadd.s32 $0xFFFFF600  }
0x53: {  	_ =	swait.ge [sflag:s8], $0xA00  }
0x54: {  	[sflag:s8] =	ssyncset.done $0x0  }
0x55: {  	[sflag:s8] =	ssyncadd.s32 $0xFFFFF600  }
0x56: {  	_ =	swait.ge [sflag:s8], $0xA00  }
0x57: {  	[sflag:s8] =	ssyncset.done $0x0  }
0x58: {  	[sflag:s8] =	ssyncadd.s32 $0xFFFFF600  }
0x59: {  	_ =	swait.ge [sflag:s8], $0xA00  }
0x5a: {  	[sflag:s8] =	ssyncset.done $0x0  }
0x5b: {  	[sflag:s8] =	ssyncadd.s32 $0xFFFFF600  }
0x5c: {  	_ =	swait.ge [sflag:s8], $0xA00  }
0x5d: {  	[sflag:s8] =	ssyncset.done $0x0  }
0x5e: {  	p3 =	por $0x0, $0x0;
	[sflag:s8] =	ssyncadd.s32 $0xFFFFF600  }
0x5f: {  	p4 =	por $0x0, $0x0;
	p6 =	por $0x1, $0x1;
	_ =	swait.ge [sflag:s8], $0xA00  }
0x60: {  	p5 =	por p4, p0;
	p1 =	por $0x1, $0x1;
	[sflag:s8] =	ssyncset.done $0x0  }
0x61: {  	s17 =	simm.s32 $0x6;
	s18 =	simm.s32 $0x1;
	[sflag:s8] =	ssyncadd.s32 $0xFFFFF600  }
0x62: {  	s19 =	sadd.s32 $0x1, s12;
	s18 =	simm.s32 @!p2 $0x0;
	_ =	swait.ge [sflag:s8], $0xA00  }
0x63: {  	p2 =	por $0x0, $0x0;
	s20 =	sadd.s32 $0x0, s5;
	[sflag:s8] =	ssyncset.done $0x0  }
0x64: {  	s21 =	sadd.s32 $0x1, s18;
	s18 =	simm.s32 $0x0;
	[sflag:s8] =	ssyncadd.s32 $0xFFFFF600  }
0x65: {  	s22 =	smul.u32 @p5 $0xC000, s20;
	s20 =	simm.s32 $0x0;
	_ =	swait.ge [sflag:s8], $0xA00  }
0x66: {  	s14 =	sand.u32 @!p1 $0x1, s2;
	p1 =	por p1, p1;
	[sflag:s8] =	ssyncset.done $0x0  }
0x67: {  	s25 =	sor.u32 @!p1 $0x4, s14;
	s14 =	simm.s32 $0x1;
	[sflag:s8] =	ssyncadd.s32 $0xFFFFF600  }
0x68: {  	s14 =	simm.s32 @!p2 $0x0;
	p2 =	seq.s32 s19, $0x8;
	_ =	swait.ge [sflag:s8], $0xA00  }
0x69: {  	s24 =	simm.s32 $0x1;
	s19 =	simm.s32 @p2 $0x0;
	[sflag:s8] =	ssyncset.done $0x0  }
0x6a: {  	s24 =	simm.s32 @!p5 $0x0;
	p0 =	sne.s32 s12, s19;
	[sflag:s8] =	ssyncadd.s32 $0xFFFFF600  }
0x6b: {  	s13 =	simm.s32 $0x7;
	p2 =	por !p6, !p0;
	_ =	strace $0x9000004B  }
0x6c: {  	s14 =	sadd.s32 $0x0, s14;
	p2 =	por !p2, !p2;
	_ =	strace @p5 $0x8000004C  }
0x6d: {  	s26 =	sand.u32 @p2 $0x1, s21;
	s23 =	sadd.s32 @p2 s5, s19;
	s28 =	rddreg [dreg:$0x3]  }
.LBB2_2:
0x6e: {  	s29 =	sshll.u32 @p2 s23, $0x8;
	s31 =	simm.s32 @p5 $0xC00;
	s23 =	smov.u32 s12  }
0x6f: {  	s15 =	sor.u32 @p5 $0x4, s15;
	s30 =	sshrl.u32 @p5 s22, $0x3;
	s12 =	sand.u32 @p2 $0x1FFFFF00, s29  }
0x70: {  	s29 =	simm.s32 @p5 $0xA00;
	s0 =	sadd.s32 @p2 s1, s12;
	s12 =	sadd.s32 @p5 s28, s30  }
0x71: {  	[hbm4b:s12+s29] =	stream.strided.scatter @p5 [tilespmem:s16], [sflag:s15], $0xA000, s31, s29, $0x200038;
	[tilespmem:$0x15000] =	vst v63  }
0x72: {  	_ =	strace @p5 $0x9000004C  }
0x73: {  	_ =	strace @!p1 $0x8000004D  }
0x74: {  	_ =	swait.ge @!p1 [sflag:s25], $0xA000  }
0x75: {  	[sflag:s25] =	ssyncset.done @!p1 $0x0  }
0x76: {  	[sflag:s25] =	ssyncadd.s32 @!p1 $0xFFFF6000  }
0x77: {  	s20 =	sadd.s32 s24, s20;
	s16 =	simm.s32 @p2 $0x0;
	_ =	strace @!p1 $0x9000004D  }
0x78: {  	s25 =	sshll.u32 @p2 s26, $0xB;
	s26 =	sor.u32 @p2 $0x2, s26;
	_ =	strace @p2 $0x80000049  }
0x79: {  	[tilespmem:s25], [sflag:s26] =	stream.linear.gather @p2 [hbm4b:s0+s16], $0x800, $0x200038;
	[tilespmem:$0x15000] =	vst v63  }
0x7a: {  	s31 =	sand.u32 $0x1, s20;
	_ =	strace @p2 $0x90000049  }
0x7b: {  	s18 =	sadd.s32 s24, s18;
	s29 =	sor.u32 $0x2, s31;
	_ =	strace $0x8000004A  }
0x7c: {  	s15 =	sand.u32 $0x1, s18;
	_ =	swait.ge [sflag:s29], $0x800  }
0x7d: {  	s30 =	smul.u32 $0x28000, s15;
	[sflag:s29] =	ssyncset.done $0x0  }
0x7e: {  	[sflag:s29] =	ssyncadd.s32 $0xFFFFF800  }
0x7f: {  	s28 =	sshll.u32 s20, $0xB;
	s25 =	sshrl.u32 s30, $0x2;
	_ =	strace $0x9000004A  }
0x80: {  	s26 =	sand.u32 $0x800, s28;
	s16 =	sor.u32 $0x1000, s25;
	_ =	strace $0x8000004B  }
0x81: {  	[tilespmem:s16], [sflag:$0x1] =	stream.indirect.gather [hbm4b:s4+s9], $0x80, s26, s9, $0x2000b8;
	[tilespmem:$0x15000] =	vst v63  }
0x82: {  	s31 =	sor.u32 $0x1A00, s25;
	s28 =	sor.u32 $0x80, s26  }
0x83: {  	[tilespmem:s31], [sflag:$0x1] =	stream.indirect.gather [hbm4b:s4+s9], $0x80, s28, s9, $0x2000b8;
	[tilespmem:$0x15000] =	vst v63  }
0x84: {  	s29 =	sadd.s32 $0x2400, s25;
	s28 =	sor.u32 $0x100, s26  }
0x85: {  	[tilespmem:s29], [sflag:$0x1] =	stream.indirect.gather [hbm4b:s4+s9], $0x80, s28, s9, $0x2000b8;
	[tilespmem:$0x15000] =	vst v63  }
0x86: {  	s30 =	sadd.s32 $0x2E00, s25;
	s28 =	sor.u32 $0x180, s26  }
0x87: {  	[tilespmem:s30], [sflag:$0x1] =	stream.indirect.gather [hbm4b:s4+s9], $0x80, s28, s9, $0x2000b8;
	[tilespmem:$0x15000] =	vst v63  }
0x88: {  	s31 =	sadd.s32 $0x3800, s25;
	s28 =	sor.u32 $0x200, s26  }
0x89: {  	[tilespmem:s31], [sflag:$0x1] =	stream.indirect.gather [hbm4b:s4+s9], $0x80, s28, s9, $0x2000b8;
	[tilespmem:$0x15000] =	vst v63  }
0x8a: {  	s29 =	sadd.s32 $0x4200, s25;
	s28 =	sor.u32 $0x280, s26  }
0x8b: {  	[tilespmem:s29], [sflag:$0x1] =	stream.indirect.gather [hbm4b:s4+s9], $0x80, s28, s9, $0x2000b8;
	[tilespmem:$0x15000] =	vst v63  }
0x8c: {  	s30 =	sadd.s32 $0x4C00, s25;
	s28 =	sor.u32 $0x300, s26  }
0x8d: {  	[tilespmem:s30], [sflag:$0x1] =	stream.indirect.gather [hbm4b:s4+s9], $0x80, s28, s9, $0x2000b8;
	[tilespmem:$0x15000] =	vst v63  }
0x8e: {  	s31 =	sadd.s32 $0x5600, s25;
	s28 =	sor.u32 $0x380, s26  }
0x8f: {  	[tilespmem:s31], [sflag:$0x1] =	stream.indirect.gather [hbm4b:s4+s9], $0x80, s28, s9, $0x2000b8;
	[tilespmem:$0x15000] =	vst v63  }
0x90: {  	s29 =	sadd.s32 $0x6000, s25;
	s28 =	sor.u32 $0x400, s26  }
0x91: {  	[tilespmem:s29], [sflag:$0x1] =	stream.indirect.gather [hbm4b:s4+s9], $0x80, s28, s9, $0x2000b8;
	[tilespmem:$0x15000] =	vst v63  }
0x92: {  	s30 =	sadd.s32 $0x6A00, s25;
	s28 =	sor.u32 $0x480, s26  }
0x93: {  	[tilespmem:s30], [sflag:$0x1] =	stream.indirect.gather [hbm4b:s4+s9], $0x80, s28, s9, $0x2000b8;
	[tilespmem:$0x15000] =	vst v63  }
0x94: {  	s31 =	sadd.s32 $0x7400, s25;
	s28 =	sor.u32 $0x500, s26  }
0x95: {  	[tilespmem:s31], [sflag:$0x1] =	stream.indirect.gather [hbm4b:s4+s9], $0x80, s28, s9, $0x2000b8;
	[tilespmem:$0x15000] =	vst v63  }
0x96: {  	s29 =	sadd.s32 $0x7E00, s25;
	s28 =	sor.u32 $0x580, s26  }
0x97: {  	[tilespmem:s29], [sflag:$0x1] =	stream.indirect.gather [hbm4b:s4+s9], $0x80, s28, s9, $0x2000b8;
	[tilespmem:$0x15000] =	vst v63  }
0x98: {  	s30 =	sadd.s32 $0x8800, s25;
	s28 =	sor.u32 $0x600, s26  }
0x99: {  	[tilespmem:s30], [sflag:$0x1] =	stream.indirect.gather [hbm4b:s4+s9], $0x80, s28, s9, $0x2000b8;
	[tilespmem:$0x15000] =	vst v63  }
0x9a: {  	s31 =	sadd.s32 $0x9200, s25;
	s28 =	sor.u32 $0x680, s26  }
0x9b: {  	[tilespmem:s31], [sflag:$0x1] =	stream.indirect.gather [hbm4b:s4+s9], $0x80, s28, s9, $0x2000b8;
	[tilespmem:$0x15000] =	vst v63  }
0x9c: {  	s29 =	sadd.s32 $0x9C00, s25;
	s28 =	sor.u32 $0x700, s26  }
0x9d: {  	[tilespmem:s29], [sflag:$0x1] =	stream.indirect.gather [hbm4b:s4+s9], $0x80, s28, s9, $0x2000b8;
	[tilespmem:$0x15000] =	vst v63  }
0x9e: {  	s30 =	sadd.s32 $0xA600, s25;
	s31 =	sor.u32 $0x780, s26  }
0x9f: {  	[tilespmem:s30], [sflag:$0x1] =	stream.indirect.gather [hbm4b:s4+s9], $0x80, s31, s9, $0x2000b8;
	[tilespmem:$0x15000] =	vst v63  }
0xa0: {  	_ =	swait.ge [sflag:s8], $0xA00  }
0xa1: {  	[sflag:s8] =	ssyncset.done $0x0  }
0xa2: {  	[sflag:s8] =	ssyncadd.s32 $0xFFFFF600  }
0xa3: {  	_ =	swait.ge [sflag:s8], $0xA00  }
0xa4: {  	[sflag:s8] =	ssyncset.done $0x0  }
0xa5: {  	[sflag:s8] =	ssyncadd.s32 $0xFFFFF600  }
0xa6: {  	_ =	swait.ge [sflag:s8], $0xA00  }
0xa7: {  	[sflag:s8] =	ssyncset.done $0x0  }
0xa8: {  	[sflag:s8] =	ssyncadd.s32 $0xFFFFF600  }
0xa9: {  	_ =	swait.ge [sflag:s8], $0xA00  }
0xaa: {  	[sflag:s8] =	ssyncset.done $0x0  }
0xab: {  	[sflag:s8] =	ssyncadd.s32 $0xFFFFF600  }
0xac: {  	_ =	swait.ge [sflag:s8], $0xA00  }
0xad: {  	[sflag:s8] =	ssyncset.done $0x0  }
0xae: {  	[sflag:s8] =	ssyncadd.s32 $0xFFFFF600  }
0xaf: {  	_ =	swait.ge [sflag:s8], $0xA00  }
0xb0: {  	[sflag:s8] =	ssyncset.done $0x0  }
0xb1: {  	[sflag:s8] =	ssyncadd.s32 $0xFFFFF600  }
0xb2: {  	_ =	swait.ge [sflag:s8], $0xA00  }
0xb3: {  	[sflag:s8] =	ssyncset.done $0x0  }
0xb4: {  	[sflag:s8] =	ssyncadd.s32 $0xFFFFF600  }
0xb5: {  	_ =	swait.ge [sflag:s8], $0xA00  }
0xb6: {  	[sflag:s8] =	ssyncset.done $0x0  }
0xb7: {  	[sflag:s8] =	ssyncadd.s32 $0xFFFFF600  }
0xb8: {  	_ =	swait.ge [sflag:s8], $0xA00  }
0xb9: {  	[sflag:s8] =	ssyncset.done $0x0  }
0xba: {  	[sflag:s8] =	ssyncadd.s32 $0xFFFFF600  }
0xbb: {  	_ =	swait.ge [sflag:s8], $0xA00  }
0xbc: {  	[sflag:s8] =	ssyncset.done $0x0  }
0xbd: {  	[sflag:s8] =	ssyncadd.s32 $0xFFFFF600  }
0xbe: {  	_ =	swait.ge [sflag:s8], $0xA00  }
0xbf: {  	[sflag:s8] =	ssyncset.done $0x0  }
0xc0: {  	[sflag:s8] =	ssyncadd.s32 $0xFFFFF600  }
0xc1: {  	_ =	swait.ge [sflag:s8], $0xA00  }
0xc2: {  	[sflag:s8] =	ssyncset.done $0x0  }
0xc3: {  	s24 =	sand.u32 @!p3 $0x1, s14;
	s22 =	smov.u32 s13;
	[sflag:s8] =	ssyncadd.s32 $0xFFFFF600  }
0xc4: {  	s13 =	smov.u32 s17;
	s17 =	sadd.s32 $0xFFFFFFFF, s17;
	_ =	swait.ge [sflag:s8], $0xA00  }
0xc5: {  	s23 =	sadd.s32 s5, s23;
	p4 =	sne.s32 s17, $0x0;
	[sflag:s8] =	ssyncset.done $0x0  }
0xc6: {  	p6 =	seq.s32 s22, $0x1;
	s12 =	smov.u32 s19;
	[sflag:s8] =	ssyncadd.s32 $0xFFFFF600  }
0xc7: {  	s19 =	sadd.s32 $0x1, s19;
	p5 =	por p6, p0;
	_ =	swait.ge [sflag:s8], $0xA00  }
0xc8: {  	p6 =	sne.s32 s13, $0x1;
	s0 =	simm.s32 $0x1;
	[sflag:s8] =	ssyncset.done $0x0  }
0xc9: {  	p1 =	por p3, p3;
	s0 =	simm.s32 @!p2 $0x0;
	[sflag:s8] =	ssyncadd.s32 $0xFFFFF600  }
0xca: {  	p2 =	sne.s32 s22, $0x8;
	s22 =	simm.s32 $0x1;
	_ =	swait.ge [sflag:s8], $0xA00  }
0xcb: {  	s22 =	simm.s32 @!p2 $0x0;
	p2 =	seq.s32 s19, $0x8;
	[sflag:s8] =	ssyncset.done $0x0  }
0xcc: {  	p3 =	seq.s32 s13, $0x8;
	s19 =	simm.s32 @p2 $0x0;
	[sflag:s8] =	ssyncadd.s32 $0xFFFFF600  }
0xcd: {  	s21 =	sadd.s32 s0, s21;
	p0 =	sne.s32 s12, s19;
	_ =	swait.ge [sflag:s8], $0xA00  }
.Ltmp0:
0xce: {  	p2 =	por !p6, !p0;
	[sflag:s8] =	ssyncset.done $0x0;
	(pc) =	sbr.rel @p4 .LBB2_2-.Ltmp0, $4  }
0xcf: {  	s14 =	sadd.s32 s22, s14;
	p2 =	por !p2, !p2;
	[sflag:s8] =	ssyncadd.s32 $0xFFFFF600  }
0xd0: {  	s22 =	smul.u32 @p5 $0xC000, s23;
	s23 =	sadd.s32 @p2 s5, s19;
	_ =	strace $0x9000004B  }
0xd1: {  	s25 =	sor.u32 @!p1 $0x4, s24;
	s24 =	simm.s32 $0x1;
	_ =	strace @p5 $0x8000004C  }
0xd2: {  	s24 =	simm.s32 @!p5 $0x0;
	s26 =	sand.u32 @p2 $0x1, s21;
	s28 =	rddreg [dreg:$0x3]  }
0xd3: {  	s0 =	sshrl.u32 @p5 s22, $0x3;
	s17 =	simm.s32 @p5 $0xC00  }
0xd4: {  	s15 =	sor.u32 @p5 $0x4, s15;
	s19 =	simm.s32 @p5 $0xA00;
	s0 =	sadd.s32 @p5 s28, s0  }
0xd5: {  	[hbm4b:s0+s19] =	stream.strided.scatter @p5 [tilespmem:s16], [sflag:s15], $0xA000, s17, s19, $0x200038;
	[tilespmem:$0x15000] =	vst v63  }
0xd6: {  	_ =	strace @p5 $0x9000004C  }
0xd7: {  	_ =	strace @!p1 $0x8000004D  }
0xd8: {  	_ =	swait.ge @!p1 [sflag:s25], $0xA000  }
0xd9: {  	s22 =	sadd.s32 s24, s20;
	[sflag:s25] =	ssyncset.done @!p1 $0x0  }
0xda: {  	s0 =	sshll.u32 @p2 s23, $0x8;
	s17 =	sshll.u32 @p2 s26, $0xB;
	[sflag:s25] =	ssyncadd.s32 @!p1 $0xFFFF6000  }
0xdb: {  	s15 =	simm.s32 @p2 $0x0;
	s0 =	sand.u32 @p2 $0x1FFFFF00, s0;
	_ =	strace @!p1 $0x9000004D  }
0xdc: {  	s19 =	sor.u32 @p2 $0x2, s26;
	s0 =	sadd.s32 @p2 s1, s0;
	_ =	strace @p2 $0x80000049  }
0xdd: {  	[tilespmem:s17], [sflag:s19] =	stream.linear.gather @p2 [hbm4b:s0+s15], $0x800, $0x200038;
	[tilespmem:$0x15000] =	vst v63  }
0xde: {  	s23 =	sand.u32 $0x1, s22;
	_ =	strace @p2 $0x90000049  }
0xdf: {  	s24 =	sadd.s32 s24, s18;
	s0 =	sor.u32 $0x2, s23;
	_ =	strace $0x8000004A  }
0xe0: {  	s15 =	sand.u32 $0x1, s24;
	_ =	swait.ge [sflag:s0], $0x800  }
0xe1: {  	s25 =	smul.u32 $0x28000, s15;
	[sflag:s0] =	ssyncset.done $0x0  }
0xe2: {  	[sflag:s0] =	ssyncadd.s32 $0xFFFFF800  }
0xe3: {  	s26 =	sshll.u32 s22, $0xB;
	s17 =	sshrl.u32 s25, $0x2;
	_ =	strace $0x9000004A  }
0xe4: {  	s16 =	sor.u32 $0x1000, s17;
	s0 =	sand.u32 $0x800, s26;
	_ =	strace $0x8000004B  }
0xe5: {  	[tilespmem:s16], [sflag:$0x1] =	stream.indirect.gather [hbm4b:s4+s9], $0x80, s0, s9, $0x2000b8;
	[tilespmem:$0x15000] =	vst v63  }
0xe6: {  	s28 =	sor.u32 $0x1A00, s17;
	s29 =	sor.u32 $0x80, s0  }
0xe7: {  	[tilespmem:s28], [sflag:$0x1] =	stream.indirect.gather [hbm4b:s4+s9], $0x80, s29, s9, $0x2000b8;
	[tilespmem:$0x15000] =	vst v63  }
0xe8: {  	s30 =	sadd.s32 $0x2400, s17;
	s31 =	sor.u32 $0x100, s0  }
0xe9: {  	[tilespmem:s30], [sflag:$0x1] =	stream.indirect.gather [hbm4b:s4+s9], $0x80, s31, s9, $0x2000b8;
	[tilespmem:$0x15000] =	vst v63  }
0xea: {  	s19 =	sadd.s32 $0x2E00, s17;
	s20 =	sor.u32 $0x180, s0  }
0xeb: {  	[tilespmem:s19], [sflag:$0x1] =	stream.indirect.gather [hbm4b:s4+s9], $0x80, s20, s9, $0x2000b8;
	[tilespmem:$0x15000] =	vst v63  }
0xec: {  	s21 =	sadd.s32 $0x3800, s17;
	s22 =	sor.u32 $0x200, s0  }
0xed: {  	[tilespmem:s21], [sflag:$0x1] =	stream.indirect.gather [hbm4b:s4+s9], $0x80, s22, s9, $0x2000b8;
	[tilespmem:$0x15000] =	vst v63  }
0xee: {  	s23 =	sadd.s32 $0x4200, s17;
	s24 =	sor.u32 $0x280, s0  }
0xef: {  	[tilespmem:s23], [sflag:$0x1] =	stream.indirect.gather [hbm4b:s4+s9], $0x80, s24, s9, $0x2000b8;
	[tilespmem:$0x15000] =	vst v63  }
0xf0: {  	s25 =	sadd.s32 $0x4C00, s17;
	s26 =	sor.u32 $0x300, s0  }
0xf1: {  	[tilespmem:s25], [sflag:$0x1] =	stream.indirect.gather [hbm4b:s4+s9], $0x80, s26, s9, $0x2000b8;
	[tilespmem:$0x15000] =	vst v63  }
0xf2: {  	s28 =	sadd.s32 $0x5600, s17;
	s29 =	sor.u32 $0x380, s0  }
0xf3: {  	[tilespmem:s28], [sflag:$0x1] =	stream.indirect.gather [hbm4b:s4+s9], $0x80, s29, s9, $0x2000b8;
	[tilespmem:$0x15000] =	vst v63  }
0xf4: {  	s30 =	sadd.s32 $0x6000, s17;
	s31 =	sor.u32 $0x400, s0  }
0xf5: {  	[tilespmem:s30], [sflag:$0x1] =	stream.indirect.gather [hbm4b:s4+s9], $0x80, s31, s9, $0x2000b8;
	[tilespmem:$0x15000] =	vst v63  }
0xf6: {  	s19 =	sadd.s32 $0x6A00, s17;
	s20 =	sor.u32 $0x480, s0  }
0xf7: {  	[tilespmem:s19], [sflag:$0x1] =	stream.indirect.gather [hbm4b:s4+s9], $0x80, s20, s9, $0x2000b8;
	[tilespmem:$0x15000] =	vst v63  }
0xf8: {  	s21 =	sadd.s32 $0x7400, s17;
	s22 =	sor.u32 $0x500, s0  }
0xf9: {  	[tilespmem:s21], [sflag:$0x1] =	stream.indirect.gather [hbm4b:s4+s9], $0x80, s22, s9, $0x2000b8;
	[tilespmem:$0x15000] =	vst v63  }
0xfa: {  	s23 =	sadd.s32 $0x7E00, s17;
	s24 =	sor.u32 $0x580, s0  }
0xfb: {  	[tilespmem:s23], [sflag:$0x1] =	stream.indirect.gather [hbm4b:s4+s9], $0x80, s24, s9, $0x2000b8;
	[tilespmem:$0x15000] =	vst v63  }
0xfc: {  	s25 =	sadd.s32 $0x8800, s17;
	s26 =	sor.u32 $0x600, s0  }
0xfd: {  	[tilespmem:s25], [sflag:$0x1] =	stream.indirect.gather [hbm4b:s4+s9], $0x80, s26, s9, $0x2000b8;
	[tilespmem:$0x15000] =	vst v63  }
0xfe: {  	s28 =	sadd.s32 $0x9200, s17;
	s29 =	sor.u32 $0x680, s0  }
0xff: {  	[tilespmem:s28], [sflag:$0x1] =	stream.indirect.gather [hbm4b:s4+s9], $0x80, s29, s9, $0x2000b8;
	[tilespmem:$0x15000] =	vst v63  }
0x100: {  	s30 =	sadd.s32 $0x9C00, s17;
	s31 =	sor.u32 $0x700, s0  }
0x101: {  	[tilespmem:s30], [sflag:$0x1] =	stream.indirect.gather [hbm4b:s4+s9], $0x80, s31, s9, $0x2000b8;
	[tilespmem:$0x15000] =	vst v63  }
0x102: {  	s17 =	sadd.s32 $0xA600, s17;
	s0 =	sor.u32 $0x780, s0  }
0x103: {  	[tilespmem:s17], [sflag:$0x1] =	stream.indirect.gather [hbm4b:s4+s9], $0x80, s0, s9, $0x2000b8;
	[tilespmem:$0x15000] =	vst v63  }
0x104: {  	_ =	swait.ge [sflag:s8], $0xA00  }
0x105: {  	[sflag:s8] =	ssyncset.done $0x0  }
0x106: {  	[sflag:s8] =	ssyncadd.s32 $0xFFFFF600  }
0x107: {  	_ =	swait.ge [sflag:s8], $0xA00  }
0x108: {  	[sflag:s8] =	ssyncset.done $0x0  }
0x109: {  	[sflag:s8] =	ssyncadd.s32 $0xFFFFF600  }
0x10a: {  	_ =	swait.ge [sflag:s8], $0xA00  }
0x10b: {  	[sflag:s8] =	ssyncset.done $0x0  }
0x10c: {  	[sflag:s8] =	ssyncadd.s32 $0xFFFFF600  }
0x10d: {  	_ =	swait.ge [sflag:s8], $0xA00  }
0x10e: {  	[sflag:s8] =	ssyncset.done $0x0  }
0x10f: {  	[sflag:s8] =	ssyncadd.s32 $0xFFFFF600  }
0x110: {  	_ =	swait.ge [sflag:s8], $0xA00  }
0x111: {  	[sflag:s8] =	ssyncset.done $0x0  }
0x112: {  	[sflag:s8] =	ssyncadd.s32 $0xFFFFF600  }
0x113: {  	_ =	swait.ge [sflag:s8], $0xA00  }
0x114: {  	[sflag:s8] =	ssyncset.done $0x0  }
0x115: {  	[sflag:s8] =	ssyncadd.s32 $0xFFFFF600  }
0x116: {  	_ =	swait.ge [sflag:s8], $0xA00  }
0x117: {  	[sflag:s8] =	ssyncset.done $0x0  }
0x118: {  	[sflag:s8] =	ssyncadd.s32 $0xFFFFF600  }
0x119: {  	_ =	swait.ge [sflag:s8], $0xA00  }
0x11a: {  	[sflag:s8] =	ssyncset.done $0x0  }
0x11b: {  	[sflag:s8] =	ssyncadd.s32 $0xFFFFF600  }
0x11c: {  	_ =	swait.ge [sflag:s8], $0xA00  }
0x11d: {  	[sflag:s8] =	ssyncset.done $0x0  }
0x11e: {  	[sflag:s8] =	ssyncadd.s32 $0xFFFFF600  }
0x11f: {  	_ =	swait.ge [sflag:s8], $0xA00  }
0x120: {  	[sflag:s8] =	ssyncset.done $0x0  }
0x121: {  	[sflag:s8] =	ssyncadd.s32 $0xFFFFF600  }
0x122: {  	_ =	swait.ge [sflag:s8], $0xA00  }
0x123: {  	[sflag:s8] =	ssyncset.done $0x0  }
0x124: {  	[sflag:s8] =	ssyncadd.s32 $0xFFFFF600  }
0x125: {  	_ =	swait.ge [sflag:s8], $0xA00  }
0x126: {  	[sflag:s8] =	ssyncset.done $0x0  }
0x127: {  	[sflag:s8] =	ssyncadd.s32 $0xFFFFF600  }
0x128: {  	_ =	swait.ge [sflag:s8], $0xA00  }
0x129: {  	[sflag:s8] =	ssyncset.done $0x0  }
0x12a: {  	[sflag:s8] =	ssyncadd.s32 $0xFFFFF600  }
0x12b: {  	_ =	swait.ge [sflag:s8], $0xA00  }
0x12c: {  	[sflag:s8] =	ssyncset.done $0x0  }
0x12d: {  	[sflag:s8] =	ssyncadd.s32 $0xFFFFF600  }
0x12e: {  	_ =	swait.ge [sflag:s8], $0xA00  }
0x12f: {  	[sflag:s8] =	ssyncset.done $0x0  }
0x130: {  	[sflag:s8] =	ssyncadd.s32 $0xFFFFF600  }
0x131: {  	_ =	swait.ge [sflag:s8], $0xA00  }
0x132: {  	p6 =	seq.s32 s13, $0x1;
	[sflag:s8] =	ssyncset.done $0x0  }
0x133: {  	p0 =	por p6, p0;
	s0 =	sadd.s32 s5, s12;
	[sflag:s8] =	ssyncadd.s32 $0xFFFFF600  }
0x134: {  	s0 =	smul.u32 @p0 $0xC000, s0;
	_ =	strace $0x9000004B  }
0x135: {  	_ =	strace @p0 $0x8000004C  }
0x136: {  	s13 =	simm.s32 @p0 $0xC00;
	s0 =	sshrl.u32 @p0 s0, $0x3;
	s12 =	rddreg [dreg:$0x3]  }
0x137: {  	s15 =	sor.u32 @p0 $0x4, s15;
	s17 =	simm.s32 @p0 $0xA00;
	s0 =	sadd.s32 @p0 s12, s0  }
0x138: {  	[hbm4b:s0+s17] =	stream.strided.scatter @p0 [tilespmem:s16], [sflag:s15], $0xA000, s13, s17, $0x200038;
	[tilespmem:$0x15000] =	vst v63  }
0x139: {  	p1 =	por p3, p3;
	s0 =	sand.u32 @!p3 $0x1, s14;
	_ =	strace @p0 $0x9000004C  }
0x13a: {  	s0 =	sor.u32 @!p1 $0x4, s0;
	_ =	strace @!p1 $0x8000004D  }
0x13b: {  	_ =	swait.ge @!p1 [sflag:s0], $0xA000  }
0x13c: {  	[sflag:s0] =	ssyncset.done @!p1 $0x0  }
0x13d: {  	s11 =	sadd.s32 $0x1, s11;
	[sflag:s0] =	ssyncadd.s32 @!p1 $0xFFFF6000  }
0x13e: {  	p0 =	sne.s32 s11, s7;
	_ =	strace @!p1 $0x9000004D  }
.Ltmp1:
0x13f: {  	_ =	strace $0x8000004E;
	(pc) =	sbr.rel @p0 .LBB2_1-.Ltmp1, $4  }
0x140: {  	_ =	swait.ge [sflag:s10], $0xA000  }
0x141: {  	[sflag:s10] =	ssyncset.done $0x0  }
0x142: {  	[sflag:s10] =	ssyncadd.s32 $0xFFFF6000  }
0x143: {  	_ =	strace $0x9000004E  }
0x144: {  	_ =	sfence.sel $0x180000  }
0x145: {  	[bflag:$0x0] =	sbarrier.arrive $0xFFFF  }
0x146: {  	_ =	strace $0x90000047  }
0x147: {  	[bflag:$0x2] =	sbarrier.arrive $0xFFFF  }
0x148: {  	p0 =	sne.s32 s3, $0x0;
	s0 =	rddreg [dreg:$0x2]  }
0x149: {  	s0 =	sadd.s32 @!p0 $0x100000, s0  }
0x14a: {  	[sflag:s0] =	ssyncadd.tile.s32 @!p0 $0x1;
	_ =	shalt  }
.Lfunc_end2:
_tile_overlayer_lowered:
.L_overlay_start_2:
0x14b: {  	(tag) =	ssettag $0x2  }
0x14c: {  	s0 =	rddreg [dreg:$0x0];
	s2 =	stileid.u32  }
0x14d: {  	s1 =	rddreg [dreg:$0x1];
	p0 =	sne.s32 s2, $0x0  }
0x14e: {  	s3 =	rddreg [dreg:$0x2];
	[bflag:$0x3] =	sbarrier.arrive $0xFFFF;
	s2 =	simm.s32 @!p0 $0x1C02  }
0x14f: {  	[timem:s3], [sflag:s2] =	dma.local @!p0 [hbm:s0], s1  }
0x150: {  	s0 =	simm.s32 @!p0 $0x2  }
0x151: {  	_ =	swait.ge @!p0 [sflag:s0], s1  }
0x152: {  	s1 =	ssub.s32 @!p0 $0x0, s1;
	[sflag:s0] =	ssyncset.done @!p0 $0x0  }
0x153: {  	[sflag:s0] =	ssyncadd.s32 @!p0 s1  }
0x154: {  	[bflag:$0x3] =	sbarrier.arrive $0xFFFF  }
0x155: {  	_ =	shalt  }

</sc_bundles>
